<compile_context>
chip_gen: v7x
topology: tpu7x:2x2x1
jax: 0.10.2.dev20260603
libtpu: 0.0.44.dev20260713+nightly
codegen_flags: <defaults>
</compile_context>

<pallas_src>
import functools

import jax
import jax.numpy as jnp
from jax import lax
from jax.experimental import pallas as pl
from jax.experimental.pallas import tpu as pltpu
from jax.experimental.pallas import tpu_sc as plsc

N = 100000
NUM_SEG = 512
NC = 2
NS = 16
NW = NC * NS
CHUNK = 3136
TAIL = N - (NW - 1) * CHUNK
STEPS = CHUNK // 16
TAIL_STEPS = TAIL // 16
SEGP = 528
COLS = SEGP // 16


def _sc_segment_sums(xf, batch):
    mesh = plsc.VectorSubcoreMesh(core_axis_name="c", subcore_axis_name="s")

    @functools.partial(
        pl.kernel,
        mesh=mesh,
        compiler_params=pltpu.CompilerParams(needs_layout_passes=False),
        out_type=[jax.ShapeDtypeStruct((NW, SEGP), jnp.float32)] * 3,
        scratch_types=[
            pltpu.VMEM((2 * CHUNK,), jnp.float32),
            pltpu.VMEM((CHUNK,), jnp.int32),
            pltpu.VMEM((NS * SEGP,), jnp.float32),
            pltpu.VMEM((NS * SEGP,), jnp.float32),
            pltpu.VMEM((NS * SEGP,), jnp.float32),
            pltpu.VMEM((SEGP,), jnp.float32),
            pltpu.VMEM((SEGP,), jnp.float32),
            pltpu.VMEM((SEGP,), jnp.float32),
        ],
    )
    def k(xf_hbm, b_hbm, out0, out1, outc,
          xv, bv, acc0, acc1, accc, st0, st1, stc):
        wid = lax.axis_index("s") * NC + lax.axis_index("c")
        base = wid * CHUNK
        is_tail = wid == NW - 1
        pltpu.sync_copy(xf_hbm.at[pl.ds(2 * base, 2 * TAIL)],
                        xv.at[pl.ds(0, 2 * TAIL)])
        pltpu.sync_copy(b_hbm.at[pl.ds(base, TAIL)], bv.at[pl.ds(0, TAIL)])

        @pl.when(jnp.logical_not(is_tail))
        def _():
            pltpu.sync_copy(
                xf_hbm.at[pl.ds(2 * base + 2 * TAIL, 2 * (CHUNK - TAIL))],
                xv.at[pl.ds(2 * TAIL, 2 * (CHUNK - TAIL))])
            pltpu.sync_copy(b_hbm.at[pl.ds(base + TAIL, CHUNK - TAIL)],
                            bv.at[pl.ds(TAIL, CHUNK - TAIL)])

        nsteps = jnp.where(is_tail, TAIL_STEPS, STEPS)

        zeros = jnp.zeros((16,), jnp.float32)
        ones = jnp.ones((16,), jnp.float32)
        laneoff = lax.iota(jnp.int32, 16) * SEGP
        lane2 = lax.iota(jnp.int32, 16) * 2

        def zero_body(c, carry):
            off = c * 16
            for r in range(NS):
                acc0[pl.ds(off + r * SEGP, 16)] = zeros
                acc1[pl.ds(off + r * SEGP, 16)] = zeros
                accc[pl.ds(off + r * SEGP, 16)] = zeros
            return carry

        lax.fori_loop(0, COLS, zero_body, 0)

        def body(i, carry):
            off = i * 16
            idx0 = lane2 + 2 * off
            v0 = plsc.load_gather(xv, [idx0])
            v1 = plsc.load_gather(xv, [idx0 + 1])
            tgt = laneoff + bv[pl.ds(off, 16)]
            plsc.addupdate_scatter(acc0, [tgt], v0)
            plsc.addupdate_scatter(acc1, [tgt], v1)
            plsc.addupdate_scatter(accc, [tgt], ones)
            return carry

        lax.fori_loop(0, nsteps, body, 0)

        def red_body(c, carry):
            off = c * 16
            s0 = acc0[pl.ds(off, 16)]
            s1 = acc1[pl.ds(off, 16)]
            sc = accc[pl.ds(off, 16)]
            for r in range(1, NS):
                s0 = s0 + acc0[pl.ds(off + r * SEGP, 16)]
                s1 = s1 + acc1[pl.ds(off + r * SEGP, 16)]
                sc = sc + accc[pl.ds(off + r * SEGP, 16)]
            st0[pl.ds(off, 16)] = s0
            st1[pl.ds(off, 16)] = s1
            stc[pl.ds(off, 16)] = sc
            return carry

        lax.fori_loop(0, COLS, red_body, 0)

        pltpu.sync_copy(st0, out0.at[wid])
        pltpu.sync_copy(st1, out1.at[wid])
        pltpu.sync_copy(stc, outc.at[wid])

    return k(xf, batch)


def _tc_mean_mlp(p0, p1, pc, W1, b1, W2, b2):

    def body(p0_ref, p1_ref, pc_ref, w1_ref, b1_ref, w2_ref, b2_ref, out_ref):
        s0 = jnp.sum(p0_ref[...], axis=0)[:NUM_SEG]
        s1 = jnp.sum(p1_ref[...], axis=0)[:NUM_SEG]
        cnt = jnp.sum(pc_ref[...], axis=0)[:NUM_SEG]
        denom = jnp.maximum(cnt, 1.0)
        m0 = (s0 / denom)[:, None]
        m1 = (s1 / denom)[:, None]
        w1 = w1_ref[...]
        h = m0 * w1[0:1, :] + m1 * w1[1:2, :] + b1_ref[...][None, :]
        h = jnp.maximum(h, 0.0)
        out_ref[...] = (
            jnp.dot(h, w2_ref[...], preferred_element_type=jnp.float32)
            + b2_ref[...][None, :]
        )

    return pl.pallas_call(
        body,
        out_shape=jax.ShapeDtypeStruct((NUM_SEG, 32), jnp.float32),
    )(p0, p1, pc, W1, b1, W2, b2)


def kernel(x, edge_index, edge_attr, u, batch, W1, b1, W2, b2):
    del edge_index, edge_attr, u
    xf = jnp.reshape(x, (2 * N,))
    b = batch.astype(jnp.int32)
    p0, p1, pc = _sc_segment_sums(xf, b)
    return _tc_mean_mlp(p0, p1, pc, W1, b1, W2, b2)

# --- scband reference (transcript-rebuilt; emitter-appended) ---
"""Pipeline reference for scband-global-encoder-7456063226157 (READ-ONLY COPY).

The authoritative reference and input builder live on the scoring server;
editing this copy changes nothing except your own understanding.
"""

import jax, jax.numpy as jnp
import numpy as np

NUM_GRAPHS = 512

def setup_inputs(seed: int = 0) -> dict:
    key = jax.random.key(seed)
    k1, k2, k3, k4, k5, k6, k7, k8, k9 = jax.random.split(key, 9)
    x = jax.random.normal(k1, (100000, 2), dtype=jnp.float32)
    edge_index = jax.random.randint(k2, (2, 1600000), 0, 100000, dtype=jnp.int64)
    edge_attr = jax.random.normal(k3, (1600000, 4), dtype=jnp.float32)
    u = jax.random.normal(k4, (NUM_GRAPHS, 32), dtype=jnp.float32)
    batch = jnp.sort(jax.random.randint(k5, (100000,), 0, NUM_GRAPHS, dtype=jnp.int64))
    # MLP params: Lin(2,32) -> ReLU -> Lin(32,32)
    W1 = jax.random.normal(k6, (2, 32), dtype=jnp.float32) * (1.0 / np.sqrt(2.0))
    b1 = jax.random.normal(k7, (32,), dtype=jnp.float32) * 0.01
    W2 = jax.random.normal(k8, (32, 32), dtype=jnp.float32) * (1.0 / np.sqrt(32.0))
    b2 = jax.random.normal(k9, (32,), dtype=jnp.float32) * 0.01
    return {"x": x, "edge_index": edge_index, "edge_attr": edge_attr, "u": u, "batch": batch, "W1": W1, "b1": b1, "W2": W2, "b2": b2}

def reference(x, edge_index, edge_attr, u, batch, W1, b1, W2, b2):
    # scatter_mean(x, batch, dim=0)
    sums = jax.ops.segment_sum(x, batch, num_segments=NUM_GRAPHS)
    counts = jax.ops.segment_sum(jnp.ones((x.shape[0],), dtype=x.dtype), batch, num_segments=NUM_GRAPHS)
    out = sums / jnp.maximum(counts, 1.0)[:, None]
    # global_mlp: Lin(2,32) -> ReLU -> Lin(32,32)
    h = jnp.maximum(out @ W1 + b1, 0.0)
    return h @ W2 + b2

if __name__ == "__main__":
    import jax
    _d = setup_inputs()
    print(jax.jit(kernel)(*tuple(_d.values())))

</pallas_src>

<mosaic_0001>
#map = affine_map<(d0, d1) -> (0)>
#map1 = affine_map<(d0, d1) -> (0, 0)>
module attributes {stable_mosaic.version = 14 : i64} {
  func.func @k(%arg0: i32, %arg1: i32, %arg2: memref<200000xf32, #tpu.memory_space<hbm>>, %arg3: memref<100000xi32, #tpu.memory_space<hbm>>, %arg4: memref<32x528xf32, #tpu.memory_space<hbm>>, %arg5: memref<32x528xf32, #tpu.memory_space<hbm>>, %arg6: memref<32x528xf32, #tpu.memory_space<hbm>>, %arg7: memref<6272xf32, #tpu.memory_space<vmem>>, %arg8: memref<3136xi32, #tpu.memory_space<vmem>>, %arg9: memref<8448xf32, #tpu.memory_space<vmem>>, %arg10: memref<8448xf32, #tpu.memory_space<vmem>>, %arg11: memref<8448xf32, #tpu.memory_space<vmem>>, %arg12: memref<528xf32, #tpu.memory_space<vmem>>, %arg13: memref<528xf32, #tpu.memory_space<vmem>>, %arg14: memref<528xf32, #tpu.memory_space<vmem>>) attributes {dimension_semantics = [#tpu.dimension_semantics<core_parallel>, #tpu.dimension_semantics<subcore_parallel>], iteration_bounds = array<i64: 2, 16>, scalar_prefetch = 0 : i64, scratch_operands = 8 : i64, tpu.core_type = #tpu.core_type<sc_vector_subcore>, window_params = [{transform_indices = #map}, {transform_indices = #map}, {transform_indices = #map1}, {transform_indices = #map1}, {transform_indices = #map1}]} {
    %mul3A = arith.constant 2 : i32
    %mul3A_0 = arith.muli %arg1, %mul3A : i32
    %add3A = arith.addi %mul3A_0, %arg0 : i32
    %mul3A_1 = arith.constant 3136 : i32
    %mul3A_2 = arith.muli %add3A, %mul3A_1 : i32
    %eq3A = arith.constant 31 : i32
    %eq3A_3 = arith.cmpi eq, %add3A, %eq3A : i32
    %mul3A_4 = arith.constant 2 : i32
    %mul3A_5 = arith.muli %mul3A_4, %mul3A_2 : i32
    "tpu.region"() ({
      %run_scoped3A = tpu.sem_alloc : memref<!tpu.dma_semaphore, #tpu.memory_space<semaphore_mem>>
      %dma_start3A = arith.constant 0 : i32
      %dma_start3A_39 = tpu.memref_slice %arg7[%dma_start3A] : memref<6272xf32, #tpu.memory_space<vmem>> -> memref<5568xf32, #tpu.memory_space<vmem>>
      %dma_start3A_40 = tpu.memref_slice %arg2[%mul3A_5] : memref<200000xf32, #tpu.memory_space<hbm>> -> memref<5568xf32, #tpu.memory_space<hbm>>
      %dma_start3A_41 = arith.constant 0 : i32
      %dma_start3A_42 = tpu.memref_slice %arg7[%dma_start3A_41] : memref<6272xf32, #tpu.memory_space<vmem>> -> memref<5568xf32, #tpu.memory_space<vmem>>
      %dma_start3A_43 = tpu.memref_slice %arg2[%mul3A_5] : memref<200000xf32, #tpu.memory_space<hbm>> -> memref<5568xf32, #tpu.memory_space<hbm>>
      tpu.enqueue_dma source(%dma_start3A_43 : memref<5568xf32, #tpu.memory_space<hbm>>) target(%dma_start3A_42 : memref<5568xf32, #tpu.memory_space<vmem>>) target_semaphore(%run_scoped3A : memref<!tpu.dma_semaphore, #tpu.memory_space<semaphore_mem>>)
      %dma_wait3A = arith.constant 0 : i32
      %dma_wait3A_44 = tpu.memref_slice %arg7[%dma_wait3A] : memref<6272xf32, #tpu.memory_space<vmem>> -> memref<5568xf32, #tpu.memory_space<vmem>>
      %dma_wait3A_45 = tpu.memref_slice %arg2[%mul3A_5] : memref<200000xf32, #tpu.memory_space<hbm>> -> memref<5568xf32, #tpu.memory_space<hbm>>
      %dma_wait3A_46 = arith.constant 0 : i32
      %dma_wait3A_47 = tpu.memref_slice %arg7[%dma_wait3A_46] : memref<6272xf32, #tpu.memory_space<vmem>> -> memref<5568xf32, #tpu.memory_space<vmem>>
      %dma_wait3A_48 = tpu.memref_slice %arg2[%mul3A_5] : memref<200000xf32, #tpu.memory_space<hbm>> -> memref<5568xf32, #tpu.memory_space<hbm>>
      tpu.wait_dma2 semaphore(%run_scoped3A : memref<!tpu.dma_semaphore, #tpu.memory_space<semaphore_mem>>) src(%dma_wait3A_48 : memref<5568xf32, #tpu.memory_space<hbm>>) dst(%dma_wait3A_47 : memref<5568xf32, #tpu.memory_space<vmem>>)
      tpu.yield
    }) : () -> ()
    "tpu.region"() ({
      %run_scoped3A = tpu.sem_alloc : memref<!tpu.dma_semaphore, #tpu.memory_space<semaphore_mem>>
      %dma_start3A = arith.constant 0 : i32
      %dma_start3A_39 = tpu.memref_slice %arg8[%dma_start3A] : memref<3136xi32, #tpu.memory_space<vmem>> -> memref<2784xi32, #tpu.memory_space<vmem>>
      %dma_start3A_40 = tpu.memref_slice %arg3[%mul3A_2] : memref<100000xi32, #tpu.memory_space<hbm>> -> memref<2784xi32, #tpu.memory_space<hbm>>
      %dma_start3A_41 = arith.constant 0 : i32
      %dma_start3A_42 = tpu.memref_slice %arg8[%dma_start3A_41] : memref<3136xi32, #tpu.memory_space<vmem>> -> memref<2784xi32, #tpu.memory_space<vmem>>
      %dma_start3A_43 = tpu.memref_slice %arg3[%mul3A_2] : memref<100000xi32, #tpu.memory_space<hbm>> -> memref<2784xi32, #tpu.memory_space<hbm>>
      tpu.enqueue_dma source(%dma_start3A_43 : memref<2784xi32, #tpu.memory_space<hbm>>) target(%dma_start3A_42 : memref<2784xi32, #tpu.memory_space<vmem>>) target_semaphore(%run_scoped3A : memref<!tpu.dma_semaphore, #tpu.memory_space<semaphore_mem>>)
      %dma_wait3A = arith.constant 0 : i32
      %dma_wait3A_44 = tpu.memref_slice %arg8[%dma_wait3A] : memref<3136xi32, #tpu.memory_space<vmem>> -> memref<2784xi32, #tpu.memory_space<vmem>>
      %dma_wait3A_45 = tpu.memref_slice %arg3[%mul3A_2] : memref<100000xi32, #tpu.memory_space<hbm>> -> memref<2784xi32, #tpu.memory_space<hbm>>
      %dma_wait3A_46 = arith.constant 0 : i32
      %dma_wait3A_47 = tpu.memref_slice %arg8[%dma_wait3A_46] : memref<3136xi32, #tpu.memory_space<vmem>> -> memref<2784xi32, #tpu.memory_space<vmem>>
      %dma_wait3A_48 = tpu.memref_slice %arg3[%mul3A_2] : memref<100000xi32, #tpu.memory_space<hbm>> -> memref<2784xi32, #tpu.memory_space<hbm>>
      tpu.wait_dma2 semaphore(%run_scoped3A : memref<!tpu.dma_semaphore, #tpu.memory_space<semaphore_mem>>) src(%dma_wait3A_48 : memref<2784xi32, #tpu.memory_space<hbm>>) dst(%dma_wait3A_47 : memref<2784xi32, #tpu.memory_space<vmem>>)
      tpu.yield
    }) : () -> ()
    %not3A = arith.constant true
    %not3A_6 = arith.xori %eq3A_3, %not3A : i1
    %convert_element_type3A = arith.extui %not3A_6 : i1 to i32
    %cond3A = arith.constant 0 : i32
    %cond3A_7 = arith.cmpi ne, %convert_element_type3A, %cond3A : i32
    scf.if %cond3A_7 {
      %mul3A_39 = arith.constant 2 : i32
      %mul3A_40 = arith.muli %mul3A_39, %mul3A_2 : i32
      %add3A_41 = arith.constant 5568 : i32
      %add3A_42 = arith.addi %mul3A_40, %add3A_41 : i32
      "tpu.region"() ({
        %run_scoped3A = tpu.sem_alloc : memref<!tpu.dma_semaphore, #tpu.memory_space<semaphore_mem>>
        %dma_start3A = arith.constant 5568 : i32
        %dma_start3A_45 = tpu.memref_slice %arg7[%dma_start3A] : memref<6272xf32, #tpu.memory_space<vmem>> -> memref<704xf32, #tpu.memory_space<vmem>>
        %dma_start3A_46 = tpu.memref_slice %arg2[%add3A_42] : memref<200000xf32, #tpu.memory_space<hbm>> -> memref<704xf32, #tpu.memory_space<hbm>>
        %dma_start3A_47 = arith.constant 5568 : i32
        %dma_start3A_48 = tpu.memref_slice %arg7[%dma_start3A_47] : memref<6272xf32, #tpu.memory_space<vmem>> -> memref<704xf32, #tpu.memory_space<vmem>>
        %dma_start3A_49 = tpu.memref_slice %arg2[%add3A_42] : memref<200000xf32, #tpu.memory_space<hbm>> -> memref<704xf32, #tpu.memory_space<hbm>>
        tpu.enqueue_dma source(%dma_start3A_49 : memref<704xf32, #tpu.memory_space<hbm>>) target(%dma_start3A_48 : memref<704xf32, #tpu.memory_space<vmem>>) target_semaphore(%run_scoped3A : memref<!tpu.dma_semaphore, #tpu.memory_space<semaphore_mem>>)
        %dma_wait3A = arith.constant 5568 : i32
        %dma_wait3A_50 = tpu.memref_slice %arg7[%dma_wait3A] : memref<6272xf32, #tpu.memory_space<vmem>> -> memref<704xf32, #tpu.memory_space<vmem>>
        %dma_wait3A_51 = tpu.memref_slice %arg2[%add3A_42] : memref<200000xf32, #tpu.memory_space<hbm>> -> memref<704xf32, #tpu.memory_space<hbm>>
        %dma_wait3A_52 = arith.constant 5568 : i32
        %dma_wait3A_53 = tpu.memref_slice %arg7[%dma_wait3A_52] : memref<6272xf32, #tpu.memory_space<vmem>> -> memref<704xf32, #tpu.memory_space<vmem>>
        %dma_wait3A_54 = tpu.memref_slice %arg2[%add3A_42] : memref<200000xf32, #tpu.memory_space<hbm>> -> memref<704xf32, #tpu.memory_space<hbm>>
        tpu.wait_dma2 semaphore(%run_scoped3A : memref<!tpu.dma_semaphore, #tpu.memory_space<semaphore_mem>>) src(%dma_wait3A_54 : memref<704xf32, #tpu.memory_space<hbm>>) dst(%dma_wait3A_53 : memref<704xf32, #tpu.memory_space<vmem>>)
        tpu.yield
      }) : () -> ()
      %add3A_43 = arith.constant 2784 : i32
      %add3A_44 = arith.addi %mul3A_2, %add3A_43 : i32
      "tpu.region"() ({
        %run_scoped3A = tpu.sem_alloc : memref<!tpu.dma_semaphore, #tpu.memory_space<semaphore_mem>>
        %dma_start3A = arith.constant 2784 : i32
        %dma_start3A_45 = tpu.memref_slice %arg8[%dma_start3A] : memref<3136xi32, #tpu.memory_space<vmem>> -> memref<352xi32, #tpu.memory_space<vmem>>
        %dma_start3A_46 = tpu.memref_slice %arg3[%add3A_44] : memref<100000xi32, #tpu.memory_space<hbm>> -> memref<352xi32, #tpu.memory_space<hbm>>
        %dma_start3A_47 = arith.constant 2784 : i32
        %dma_start3A_48 = tpu.memref_slice %arg8[%dma_start3A_47] : memref<3136xi32, #tpu.memory_space<vmem>> -> memref<352xi32, #tpu.memory_space<vmem>>
        %dma_start3A_49 = tpu.memref_slice %arg3[%add3A_44] : memref<100000xi32, #tpu.memory_space<hbm>> -> memref<352xi32, #tpu.memory_space<hbm>>
        tpu.enqueue_dma source(%dma_start3A_49 : memref<352xi32, #tpu.memory_space<hbm>>) target(%dma_start3A_48 : memref<352xi32, #tpu.memory_space<vmem>>) target_semaphore(%run_scoped3A : memref<!tpu.dma_semaphore, #tpu.memory_space<semaphore_mem>>)
        %dma_wait3A = arith.constant 2784 : i32
        %dma_wait3A_50 = tpu.memref_slice %arg8[%dma_wait3A] : memref<3136xi32, #tpu.memory_space<vmem>> -> memref<352xi32, #tpu.memory_space<vmem>>
        %dma_wait3A_51 = tpu.memref_slice %arg3[%add3A_44] : memref<100000xi32, #tpu.memory_space<hbm>> -> memref<352xi32, #tpu.memory_space<hbm>>
        %dma_wait3A_52 = arith.constant 2784 : i32
        %dma_wait3A_53 = tpu.memref_slice %arg8[%dma_wait3A_52] : memref<3136xi32, #tpu.memory_space<vmem>> -> memref<352xi32, #tpu.memory_space<vmem>>
        %dma_wait3A_54 = tpu.memref_slice %arg3[%add3A_44] : memref<100000xi32, #tpu.memory_space<hbm>> -> memref<352xi32, #tpu.memory_space<hbm>>
        tpu.wait_dma2 semaphore(%run_scoped3A : memref<!tpu.dma_semaphore, #tpu.memory_space<semaphore_mem>>) src(%dma_wait3A_54 : memref<352xi32, #tpu.memory_space<hbm>>) dst(%dma_wait3A_53 : memref<352xi32, #tpu.memory_space<vmem>>)
        tpu.yield
      }) : () -> ()
    } else {
    }
    %jit3A = arith.constant 174 : i32
    %jit3A_8 = arith.constant 196 : i32
    %select_n3A = arith.select %eq3A_3, %jit3A, %jit3A_8 : i32
    %broadcast_in_dim3A = arith.constant 0.000000e+00 : f32
    %broadcast_in_dim3A_9 = vector.broadcast %broadcast_in_dim3A : f32 to vector<16xf32>
    %broadcast_in_dim3A_10 = arith.constant 1.000000e+00 : f32
    %broadcast_in_dim3A_11 = vector.broadcast %broadcast_in_dim3A_10 : f32 to vector<16xf32>
    %iota3A = tpu.iota {dimensions = array<i32: 0>} : vector<16xi32>
    %mul3A_12 = arith.constant 528 : i32
    %mul3A_13 = vector.broadcast %mul3A_12 : i32 to vector<16xi32>
    %mul3A_14 = arith.muli %iota3A, %mul3A_13 : vector<16xi32>
    %iota3A_15 = tpu.iota {dimensions = array<i32: 0>} : vector<16xi32>
    %mul3A_16 = arith.constant 2 : i32
    %mul3A_17 = vector.broadcast %mul3A_16 : i32 to vector<16xi32>
    %mul3A_18 = arith.muli %iota3A_15, %mul3A_17 : vector<16xi32>
    %scan3A = arith.constant 0 : i32
    %scan3A_19 = arith.constant 0 : i32
    %scan3A_20 = arith.constant 33 : i32
    %scan3A_21 = arith.addi %scan3A_19, %scan3A_20 : i32
    %scan3A_22 = arith.constant 1 : i32
    scf.for %scan3A_39 = %scan3A_19 to %scan3A_21 step %scan3A_22  : i32 {
      %mul3A_40 = arith.constant 16 : i32
      %mul3A_41 = arith.muli %scan3A_39, %mul3A_40 : i32
      %add3A_42 = arith.constant 0 : i32
      %add3A_43 = arith.addi %mul3A_41, %add3A_42 : i32
      %swap3A = arith.index_cast %add3A_43 : i32 to index
      %swap3A_44 = tpu.vector_load %arg9[%swap3A] {strides = array<i32>} : memref<8448xf32, #tpu.memory_space<vmem>>, vector<16xf32>,
      tpu.vector_store %arg9[%swap3A], %broadcast_in_dim3A_9 {strides = array<i32>} : memref<8448xf32, #tpu.memory_space<vmem>>, vector<16xf32>,
      %add3A_45 = arith.constant 0 : i32
      %add3A_46 = arith.addi %mul3A_41, %add3A_45 : i32
      %swap3A_47 = arith.index_cast %add3A_46 : i32 to index
      %swap3A_48 = tpu.vector_load %arg10[%swap3A_47] {strides = array<i32>} : memref<8448xf32, #tpu.memory_space<vmem>>, vector<16xf32>,
      tpu.vector_store %arg10[%swap3A_47], %broadcast_in_dim3A_9 {strides = array<i32>} : memref<8448xf32, #tpu.memory_space<vmem>>, vector<16xf32>,
      %add3A_49 = arith.constant 0 : i32
      %add3A_50 = arith.addi %mul3A_41, %add3A_49 : i32
      %swap3A_51 = arith.index_cast %add3A_50 : i32 to index
      %swap3A_52 = tpu.vector_load %arg11[%swap3A_51] {strides = array<i32>} : memref<8448xf32, #tpu.memory_space<vmem>>, vector<16xf32>,
      tpu.vector_store %arg11[%swap3A_51], %broadcast_in_dim3A_9 {strides = array<i32>} : memref<8448xf32, #tpu.memory_space<vmem>>, vector<16xf32>,
      %add3A_53 = arith.constant 528 : i32
      %add3A_54 = arith.addi %mul3A_41, %add3A_53 : i32
      %swap3A_55 = arith.index_cast %add3A_54 : i32 to index
      %swap3A_56 = tpu.vector_load %arg9[%swap3A_55] {strides = array<i32>} : memref<8448xf32, #tpu.memory_space<vmem>>, vector<16xf32>,
      tpu.vector_store %arg9[%swap3A_55], %broadcast_in_dim3A_9 {strides = array<i32>} : memref<8448xf32, #tpu.memory_space<vmem>>, vector<16xf32>,
      %add3A_57 = arith.constant 528 : i32
      %add3A_58 = arith.addi %mul3A_41, %add3A_57 : i32
      %swap3A_59 = arith.index_cast %add3A_58 : i32 to index
      %swap3A_60 = tpu.vector_load %arg10[%swap3A_59] {strides = array<i32>} : memref<8448xf32, #tpu.memory_space<vmem>>, vector<16xf32>,
      tpu.vector_store %arg10[%swap3A_59], %broadcast_in_dim3A_9 {strides = array<i32>} : memref<8448xf32, #tpu.memory_space<vmem>>, vector<16xf32>,
      %add3A_61 = arith.constant 528 : i32
      %add3A_62 = arith.addi %mul3A_41, %add3A_61 : i32
      %swap3A_63 = arith.index_cast %add3A_62 : i32 to index
      %swap3A_64 = tpu.vector_load %arg11[%swap3A_63] {strides = array<i32>} : memref<8448xf32, #tpu.memory_space<vmem>>, vector<16xf32>,
      tpu.vector_store %arg11[%swap3A_63], %broadcast_in_dim3A_9 {strides = array<i32>} : memref<8448xf32, #tpu.memory_space<vmem>>, vector<16xf32>,
      %add3A_65 = arith.constant 1056 : i32
      %add3A_66 = arith.addi %mul3A_41, %add3A_65 : i32
      %swap3A_67 = arith.index_cast %add3A_66 : i32 to index
      %swap3A_68 = tpu.vector_load %arg9[%swap3A_67] {strides = array<i32>} : memref<8448xf32, #tpu.memory_space<vmem>>, vector<16xf32>,
      tpu.vector_store %arg9[%swap3A_67], %broadcast_in_dim3A_9 {strides = array<i32>} : memref<8448xf32, #tpu.memory_space<vmem>>, vector<16xf32>,
      %add3A_69 = arith.constant 1056 : i32
      %add3A_70 = arith.addi %mul3A_41, %add3A_69 : i32
      %swap3A_71 = arith.index_cast %add3A_70 : i32 to index
      %swap3A_72 = tpu.vector_load %arg10[%swap3A_71] {strides = array<i32>} : memref<8448xf32, #tpu.memory_space<vmem>>, vector<16xf32>,
      tpu.vector_store %arg10[%swap3A_71], %broadcast_in_dim3A_9 {strides = array<i32>} : memref<8448xf32, #tpu.memory_space<vmem>>, vector<16xf32>,
      %add3A_73 = arith.constant 1056 : i32
      %add3A_74 = arith.addi %mul3A_41, %add3A_73 : i32
      %swap3A_75 = arith.index_cast %add3A_74 : i32 to index
      %swap3A_76 = tpu.vector_load %arg11[%swap3A_75] {strides = array<i32>} : memref<8448xf32, #tpu.memory_space<vmem>>, vector<16xf32>,
      tpu.vector_store %arg11[%swap3A_75], %broadcast_in_dim3A_9 {strides = array<i32>} : memref<8448xf32, #tpu.memory_space<vmem>>, vector<16xf32>,
      %add3A_77 = arith.constant 1584 : i32
      %add3A_78 = arith.addi %mul3A_41, %add3A_77 : i32
      %swap3A_79 = arith.index_cast %add3A_78 : i32 to index
      %swap3A_80 = tpu.vector_load %arg9[%swap3A_79] {strides = array<i32>} : memref<8448xf32, #tpu.memory_space<vmem>>, vector<16xf32>,
      tpu.vector_store %arg9[%swap3A_79], %broadcast_in_dim3A_9 {strides = array<i32>} : memref<8448xf32, #tpu.memory_space<vmem>>, vector<16xf32>,
      %add3A_81 = arith.constant 1584 : i32
      %add3A_82 = arith.addi %mul3A_41, %add3A_81 : i32
      %swap3A_83 = arith.index_cast %add3A_82 : i32 to index
      %swap3A_84 = tpu.vector_load %arg10[%swap3A_83] {strides = array<i32>} : memref<8448xf32, #tpu.memory_space<vmem>>, vector<16xf32>,
      tpu.vector_store %arg10[%swap3A_83], %broadcast_in_dim3A_9 {strides = array<i32>} : memref<8448xf32, #tpu.memory_space<vmem>>, vector<16xf32>,
      %add3A_85 = arith.constant 1584 : i32
      %add3A_86 = arith.addi %mul3A_41, %add3A_85 : i32
      %swap3A_87 = arith.index_cast %add3A_86 : i32 to index
      %swap3A_88 = tpu.vector_load %arg11[%swap3A_87] {strides = array<i32>} : memref<8448xf32, #tpu.memory_space<vmem>>, vector<16xf32>,
      tpu.vector_store %arg11[%swap3A_87], %broadcast_in_dim3A_9 {strides = array<i32>} : memref<8448xf32, #tpu.memory_space<vmem>>, vector<16xf32>,
      %add3A_89 = arith.constant 2112 : i32
      %add3A_90 = arith.addi %mul3A_41, %add3A_89 : i32
      %swap3A_91 = arith.index_cast %add3A_90 : i32 to index
      %swap3A_92 = tpu.vector_load %arg9[%swap3A_91] {strides = array<i32>} : memref<8448xf32, #tpu.memory_space<vmem>>, vector<16xf32>,
      tpu.vector_store %arg9[%swap3A_91], %broadcast_in_dim3A_9 {strides = array<i32>} : memref<8448xf32, #tpu.memory_space<vmem>>, vector<16xf32>,
      %add3A_93 = arith.constant 2112 : i32
      %add3A_94 = arith.addi %mul3A_41, %add3A_93 : i32
      %swap3A_95 = arith.index_cast %add3A_94 : i32 to index
      %swap3A_96 = tpu.vector_load %arg10[%swap3A_95] {strides = array<i32>} : memref<8448xf32, #tpu.memory_space<vmem>>, vector<16xf32>,
      tpu.vector_store %arg10[%swap3A_95], %broadcast_in_dim3A_9 {strides = array<i32>} : memref<8448xf32, #tpu.memory_space<vmem>>, vector<16xf32>,
      %add3A_97 = arith.constant 2112 : i32
      %add3A_98 = arith.addi %mul3A_41, %add3A_97 : i32
      %swap3A_99 = arith.index_cast %add3A_98 : i32 to index
      %swap3A_100 = tpu.vector_load %arg11[%swap3A_99] {strides = array<i32>} : memref<8448xf32, #tpu.memory_space<vmem>>, vector<16xf32>,
      tpu.vector_store %arg11[%swap3A_99], %broadcast_in_dim3A_9 {strides = array<i32>} : memref<8448xf32, #tpu.memory_space<vmem>>, vector<16xf32>,
      %add3A_101 = arith.constant 2640 : i32
      %add3A_102 = arith.addi %mul3A_41, %add3A_101 : i32
      %swap3A_103 = arith.index_cast %add3A_102 : i32 to index
      %swap3A_104 = tpu.vector_load %arg9[%swap3A_103] {strides = array<i32>} : memref<8448xf32, #tpu.memory_space<vmem>>, vector<16xf32>,
      tpu.vector_store %arg9[%swap3A_103], %broadcast_in_dim3A_9 {strides = array<i32>} : memref<8448xf32, #tpu.memory_space<vmem>>, vector<16xf32>,
      %add3A_105 = arith.constant 2640 : i32
      %add3A_106 = arith.addi %mul3A_41, %add3A_105 : i32
      %swap3A_107 = arith.index_cast %add3A_106 : i32 to index
      %swap3A_108 = tpu.vector_load %arg10[%swap3A_107] {strides = array<i32>} : memref<8448xf32, #tpu.memory_space<vmem>>, vector<16xf32>,
      tpu.vector_store %arg10[%swap3A_107], %broadcast_in_dim3A_9 {strides = array<i32>} : memref<8448xf32, #tpu.memory_space<vmem>>, vector<16xf32>,
      %add3A_109 = arith.constant 2640 : i32
      %add3A_110 = arith.addi %mul3A_41, %add3A_109 : i32
      %swap3A_111 = arith.index_cast %add3A_110 : i32 to index
      %swap3A_112 = tpu.vector_load %arg11[%swap3A_111] {strides = array<i32>} : memref<8448xf32, #tpu.memory_space<vmem>>, vector<16xf32>,
      tpu.vector_store %arg11[%swap3A_111], %broadcast_in_dim3A_9 {strides = array<i32>} : memref<8448xf32, #tpu.memory_space<vmem>>, vector<16xf32>,
      %add3A_113 = arith.constant 3168 : i32
      %add3A_114 = arith.addi %mul3A_41, %add3A_113 : i32
      %swap3A_115 = arith.index_cast %add3A_114 : i32 to index
      %swap3A_116 = tpu.vector_load %arg9[%swap3A_115] {strides = array<i32>} : memref<8448xf32, #tpu.memory_space<vmem>>, vector<16xf32>,
      tpu.vector_store %arg9[%swap3A_115], %broadcast_in_dim3A_9 {strides = array<i32>} : memref<8448xf32, #tpu.memory_space<vmem>>, vector<16xf32>,
      %add3A_117 = arith.constant 3168 : i32
      %add3A_118 = arith.addi %mul3A_41, %add3A_117 : i32
      %swap3A_119 = arith.index_cast %add3A_118 : i32 to index
      %swap3A_120 = tpu.vector_load %arg10[%swap3A_119] {strides = array<i32>} : memref<8448xf32, #tpu.memory_space<vmem>>, vector<16xf32>,
      tpu.vector_store %arg10[%swap3A_119], %broadcast_in_dim3A_9 {strides = array<i32>} : memref<8448xf32, #tpu.memory_space<vmem>>, vector<16xf32>,
      %add3A_121 = arith.constant 3168 : i32
      %add3A_122 = arith.addi %mul3A_41, %add3A_121 : i32
      %swap3A_123 = arith.index_cast %add3A_122 : i32 to index
      %swap3A_124 = tpu.vector_load %arg11[%swap3A_123] {strides = array<i32>} : memref<8448xf32, #tpu.memory_space<vmem>>, vector<16xf32>,
      tpu.vector_store %arg11[%swap3A_123], %broadcast_in_dim3A_9 {strides = array<i32>} : memref<8448xf32, #tpu.memory_space<vmem>>, vector<16xf32>,
      %add3A_125 = arith.constant 3696 : i32
      %add3A_126 = arith.addi %mul3A_41, %add3A_125 : i32
      %swap3A_127 = arith.index_cast %add3A_126 : i32 to index
      %swap3A_128 = tpu.vector_load %arg9[%swap3A_127] {strides = array<i32>} : memref<8448xf32, #tpu.memory_space<vmem>>, vector<16xf32>,
      tpu.vector_store %arg9[%swap3A_127], %broadcast_in_dim3A_9 {strides = array<i32>} : memref<8448xf32, #tpu.memory_space<vmem>>, vector<16xf32>,
      %add3A_129 = arith.constant 3696 : i32
      %add3A_130 = arith.addi %mul3A_41, %add3A_129 : i32
      %swap3A_131 = arith.index_cast %add3A_130 : i32 to index
      %swap3A_132 = tpu.vector_load %arg10[%swap3A_131] {strides = array<i32>} : memref<8448xf32, #tpu.memory_space<vmem>>, vector<16xf32>,
      tpu.vector_store %arg10[%swap3A_131], %broadcast_in_dim3A_9 {strides = array<i32>} : memref<8448xf32, #tpu.memory_space<vmem>>, vector<16xf32>,
      %add3A_133 = arith.constant 3696 : i32
      %add3A_134 = arith.addi %mul3A_41, %add3A_133 : i32
      %swap3A_135 = arith.index_cast %add3A_134 : i32 to index
      %swap3A_136 = tpu.vector_load %arg11[%swap3A_135] {strides = array<i32>} : memref<8448xf32, #tpu.memory_space<vmem>>, vector<16xf32>,
      tpu.vector_store %arg11[%swap3A_135], %broadcast_in_dim3A_9 {strides = array<i32>} : memref<8448xf32, #tpu.memory_space<vmem>>, vector<16xf32>,
      %add3A_137 = arith.constant 4224 : i32
      %add3A_138 = arith.addi %mul3A_41, %add3A_137 : i32
      %swap3A_139 = arith.index_cast %add3A_138 : i32 to index
      %swap3A_140 = tpu.vector_load %arg9[%swap3A_139] {strides = array<i32>} : memref<8448xf32, #tpu.memory_space<vmem>>, vector<16xf32>,
      tpu.vector_store %arg9[%swap3A_139], %broadcast_in_dim3A_9 {strides = array<i32>} : memref<8448xf32, #tpu.memory_space<vmem>>, vector<16xf32>,
      %add3A_141 = arith.constant 4224 : i32
      %add3A_142 = arith.addi %mul3A_41, %add3A_141 : i32
      %swap3A_143 = arith.index_cast %add3A_142 : i32 to index
      %swap3A_144 = tpu.vector_load %arg10[%swap3A_143] {strides = array<i32>} : memref<8448xf32, #tpu.memory_space<vmem>>, vector<16xf32>,
      tpu.vector_store %arg10[%swap3A_143], %broadcast_in_dim3A_9 {strides = array<i32>} : memref<8448xf32, #tpu.memory_space<vmem>>, vector<16xf32>,
      %add3A_145 = arith.constant 4224 : i32
      %add3A_146 = arith.addi %mul3A_41, %add3A_145 : i32
      %swap3A_147 = arith.index_cast %add3A_146 : i32 to index
      %swap3A_148 = tpu.vector_load %arg11[%swap3A_147] {strides = array<i32>} : memref<8448xf32, #tpu.memory_space<vmem>>, vector<16xf32>,
      tpu.vector_store %arg11[%swap3A_147], %broadcast_in_dim3A_9 {strides = array<i32>} : memref<8448xf32, #tpu.memory_space<vmem>>, vector<16xf32>,
      %add3A_149 = arith.constant 4752 : i32
      %add3A_150 = arith.addi %mul3A_41, %add3A_149 : i32
      %swap3A_151 = arith.index_cast %add3A_150 : i32 to index
      %swap3A_152 = tpu.vector_load %arg9[%swap3A_151] {strides = array<i32>} : memref<8448xf32, #tpu.memory_space<vmem>>, vector<16xf32>,
      tpu.vector_store %arg9[%swap3A_151], %broadcast_in_dim3A_9 {strides = array<i32>} : memref<8448xf32, #tpu.memory_space<vmem>>, vector<16xf32>,
      %add3A_153 = arith.constant 4752 : i32
      %add3A_154 = arith.addi %mul3A_41, %add3A_153 : i32
      %swap3A_155 = arith.index_cast %add3A_154 : i32 to index
      %swap3A_156 = tpu.vector_load %arg10[%swap3A_155] {strides = array<i32>} : memref<8448xf32, #tpu.memory_space<vmem>>, vector<16xf32>,
      tpu.vector_store %arg10[%swap3A_155], %broadcast_in_dim3A_9 {strides = array<i32>} : memref<8448xf32, #tpu.memory_space<vmem>>, vector<16xf32>,
      %add3A_157 = arith.constant 4752 : i32
      %add3A_158 = arith.addi %mul3A_41, %add3A_157 : i32
      %swap3A_159 = arith.index_cast %add3A_158 : i32 to index
      %swap3A_160 = tpu.vector_load %arg11[%swap3A_159] {strides = array<i32>} : memref<8448xf32, #tpu.memory_space<vmem>>, vector<16xf32>,
      tpu.vector_store %arg11[%swap3A_159], %broadcast_in_dim3A_9 {strides = array<i32>} : memref<8448xf32, #tpu.memory_space<vmem>>, vector<16xf32>,
      %add3A_161 = arith.constant 5280 : i32
      %add3A_162 = arith.addi %mul3A_41, %add3A_161 : i32
      %swap3A_163 = arith.index_cast %add3A_162 : i32 to index
      %swap3A_164 = tpu.vector_load %arg9[%swap3A_163] {strides = array<i32>} : memref<8448xf32, #tpu.memory_space<vmem>>, vector<16xf32>,
      tpu.vector_store %arg9[%swap3A_163], %broadcast_in_dim3A_9 {strides = array<i32>} : memref<8448xf32, #tpu.memory_space<vmem>>, vector<16xf32>,
      %add3A_165 = arith.constant 5280 : i32
      %add3A_166 = arith.addi %mul3A_41, %add3A_165 : i32
      %swap3A_167 = arith.index_cast %add3A_166 : i32 to index
      %swap3A_168 = tpu.vector_load %arg10[%swap3A_167] {strides = array<i32>} : memref<8448xf32, #tpu.memory_space<vmem>>, vector<16xf32>,
      tpu.vector_store %arg10[%swap3A_167], %broadcast_in_dim3A_9 {strides = array<i32>} : memref<8448xf32, #tpu.memory_space<vmem>>, vector<16xf32>,
      %add3A_169 = arith.constant 5280 : i32
      %add3A_170 = arith.addi %mul3A_41, %add3A_169 : i32
      %swap3A_171 = arith.index_cast %add3A_170 : i32 to index
      %swap3A_172 = tpu.vector_load %arg11[%swap3A_171] {strides = array<i32>} : memref<8448xf32, #tpu.memory_space<vmem>>, vector<16xf32>,
      tpu.vector_store %arg11[%swap3A_171], %broadcast_in_dim3A_9 {strides = array<i32>} : memref<8448xf32, #tpu.memory_space<vmem>>, vector<16xf32>,
      %add3A_173 = arith.constant 5808 : i32
      %add3A_174 = arith.addi %mul3A_41, %add3A_173 : i32
      %swap3A_175 = arith.index_cast %add3A_174 : i32 to index
      %swap3A_176 = tpu.vector_load %arg9[%swap3A_175] {strides = array<i32>} : memref<8448xf32, #tpu.memory_space<vmem>>, vector<16xf32>,
      tpu.vector_store %arg9[%swap3A_175], %broadcast_in_dim3A_9 {strides = array<i32>} : memref<8448xf32, #tpu.memory_space<vmem>>, vector<16xf32>,
      %add3A_177 = arith.constant 5808 : i32
      %add3A_178 = arith.addi %mul3A_41, %add3A_177 : i32
      %swap3A_179 = arith.index_cast %add3A_178 : i32 to index
      %swap3A_180 = tpu.vector_load %arg10[%swap3A_179] {strides = array<i32>} : memref<8448xf32, #tpu.memory_space<vmem>>, vector<16xf32>,
      tpu.vector_store %arg10[%swap3A_179], %broadcast_in_dim3A_9 {strides = array<i32>} : memref<8448xf32, #tpu.memory_space<vmem>>, vector<16xf32>,
      %add3A_181 = arith.constant 5808 : i32
      %add3A_182 = arith.addi %mul3A_41, %add3A_181 : i32
      %swap3A_183 = arith.index_cast %add3A_182 : i32 to index
      %swap3A_184 = tpu.vector_load %arg11[%swap3A_183] {strides = array<i32>} : memref<8448xf32, #tpu.memory_space<vmem>>, vector<16xf32>,
      tpu.vector_store %arg11[%swap3A_183], %broadcast_in_dim3A_9 {strides = array<i32>} : memref<8448xf32, #tpu.memory_space<vmem>>, vector<16xf32>,
      %add3A_185 = arith.constant 6336 : i32
      %add3A_186 = arith.addi %mul3A_41, %add3A_185 : i32
      %swap3A_187 = arith.index_cast %add3A_186 : i32 to index
      %swap3A_188 = tpu.vector_load %arg9[%swap3A_187] {strides = array<i32>} : memref<8448xf32, #tpu.memory_space<vmem>>, vector<16xf32>,
      tpu.vector_store %arg9[%swap3A_187], %broadcast_in_dim3A_9 {strides = array<i32>} : memref<8448xf32, #tpu.memory_space<vmem>>, vector<16xf32>,
      %add3A_189 = arith.constant 6336 : i32
      %add3A_190 = arith.addi %mul3A_41, %add3A_189 : i32
      %swap3A_191 = arith.index_cast %add3A_190 : i32 to index
      %swap3A_192 = tpu.vector_load %arg10[%swap3A_191] {strides = array<i32>} : memref<8448xf32, #tpu.memory_space<vmem>>, vector<16xf32>,
      tpu.vector_store %arg10[%swap3A_191], %broadcast_in_dim3A_9 {strides = array<i32>} : memref<8448xf32, #tpu.memory_space<vmem>>, vector<16xf32>,
      %add3A_193 = arith.constant 6336 : i32
      %add3A_194 = arith.addi %mul3A_41, %add3A_193 : i32
      %swap3A_195 = arith.index_cast %add3A_194 : i32 to index
      %swap3A_196 = tpu.vector_load %arg11[%swap3A_195] {strides = array<i32>} : memref<8448xf32, #tpu.memory_space<vmem>>, vector<16xf32>,
      tpu.vector_store %arg11[%swap3A_195], %broadcast_in_dim3A_9 {strides = array<i32>} : memref<8448xf32, #tpu.memory_space<vmem>>, vector<16xf32>,
      %add3A_197 = arith.constant 6864 : i32
      %add3A_198 = arith.addi %mul3A_41, %add3A_197 : i32
      %swap3A_199 = arith.index_cast %add3A_198 : i32 to index
      %swap3A_200 = tpu.vector_load %arg9[%swap3A_199] {strides = array<i32>} : memref<8448xf32, #tpu.memory_space<vmem>>, vector<16xf32>,
      tpu.vector_store %arg9[%swap3A_199], %broadcast_in_dim3A_9 {strides = array<i32>} : memref<8448xf32, #tpu.memory_space<vmem>>, vector<16xf32>,
      %add3A_201 = arith.constant 6864 : i32
      %add3A_202 = arith.addi %mul3A_41, %add3A_201 : i32
      %swap3A_203 = arith.index_cast %add3A_202 : i32 to index
      %swap3A_204 = tpu.vector_load %arg10[%swap3A_203] {strides = array<i32>} : memref<8448xf32, #tpu.memory_space<vmem>>, vector<16xf32>,
      tpu.vector_store %arg10[%swap3A_203], %broadcast_in_dim3A_9 {strides = array<i32>} : memref<8448xf32, #tpu.memory_space<vmem>>, vector<16xf32>,
      %add3A_205 = arith.constant 6864 : i32
      %add3A_206 = arith.addi %mul3A_41, %add3A_205 : i32
      %swap3A_207 = arith.index_cast %add3A_206 : i32 to index
      %swap3A_208 = tpu.vector_load %arg11[%swap3A_207] {strides = array<i32>} : memref<8448xf32, #tpu.memory_space<vmem>>, vector<16xf32>,
      tpu.vector_store %arg11[%swap3A_207], %broadcast_in_dim3A_9 {strides = array<i32>} : memref<8448xf32, #tpu.memory_space<vmem>>, vector<16xf32>,
      %add3A_209 = arith.constant 7392 : i32
      %add3A_210 = arith.addi %mul3A_41, %add3A_209 : i32
      %swap3A_211 = arith.index_cast %add3A_210 : i32 to index
      %swap3A_212 = tpu.vector_load %arg9[%swap3A_211] {strides = array<i32>} : memref<8448xf32, #tpu.memory_space<vmem>>, vector<16xf32>,
      tpu.vector_store %arg9[%swap3A_211], %broadcast_in_dim3A_9 {strides = array<i32>} : memref<8448xf32, #tpu.memory_space<vmem>>, vector<16xf32>,
      %add3A_213 = arith.constant 7392 : i32
      %add3A_214 = arith.addi %mul3A_41, %add3A_213 : i32
      %swap3A_215 = arith.index_cast %add3A_214 : i32 to index
      %swap3A_216 = tpu.vector_load %arg10[%swap3A_215] {strides = array<i32>} : memref<8448xf32, #tpu.memory_space<vmem>>, vector<16xf32>,
      tpu.vector_store %arg10[%swap3A_215], %broadcast_in_dim3A_9 {strides = array<i32>} : memref<8448xf32, #tpu.memory_space<vmem>>, vector<16xf32>,
      %add3A_217 = arith.constant 7392 : i32
      %add3A_218 = arith.addi %mul3A_41, %add3A_217 : i32
      %swap3A_219 = arith.index_cast %add3A_218 : i32 to index
      %swap3A_220 = tpu.vector_load %arg11[%swap3A_219] {strides = array<i32>} : memref<8448xf32, #tpu.memory_space<vmem>>, vector<16xf32>,
      tpu.vector_store %arg11[%swap3A_219], %broadcast_in_dim3A_9 {strides = array<i32>} : memref<8448xf32, #tpu.memory_space<vmem>>, vector<16xf32>,
      %add3A_221 = arith.constant 7920 : i32
      %add3A_222 = arith.addi %mul3A_41, %add3A_221 : i32
      %swap3A_223 = arith.index_cast %add3A_222 : i32 to index
      %swap3A_224 = tpu.vector_load %arg9[%swap3A_223] {strides = array<i32>} : memref<8448xf32, #tpu.memory_space<vmem>>, vector<16xf32>,
      tpu.vector_store %arg9[%swap3A_223], %broadcast_in_dim3A_9 {strides = array<i32>} : memref<8448xf32, #tpu.memory_space<vmem>>, vector<16xf32>,
      %add3A_225 = arith.constant 7920 : i32
      %add3A_226 = arith.addi %mul3A_41, %add3A_225 : i32
      %swap3A_227 = arith.index_cast %add3A_226 : i32 to index
      %swap3A_228 = tpu.vector_load %arg10[%swap3A_227] {strides = array<i32>} : memref<8448xf32, #tpu.memory_space<vmem>>, vector<16xf32>,
      tpu.vector_store %arg10[%swap3A_227], %broadcast_in_dim3A_9 {strides = array<i32>} : memref<8448xf32, #tpu.memory_space<vmem>>, vector<16xf32>,
      %add3A_229 = arith.constant 7920 : i32
      %add3A_230 = arith.addi %mul3A_41, %add3A_229 : i32
      %swap3A_231 = arith.index_cast %add3A_230 : i32 to index
      %swap3A_232 = tpu.vector_load %arg11[%swap3A_231] {strides = array<i32>} : memref<8448xf32, #tpu.memory_space<vmem>>, vector<16xf32>,
      tpu.vector_store %arg11[%swap3A_231], %broadcast_in_dim3A_9 {strides = array<i32>} : memref<8448xf32, #tpu.memory_space<vmem>>, vector<16xf32>,
    }
    %scan3A_23 = arith.constant 33 : i32
    %while3A = arith.constant 0 : i32
    %while3A_24 = arith.constant 0 : i32
    %while3A_25 = arith.subi %select_n3A, %while3A_24 : i32
    %while3A_26 = arith.addi %while3A_24, %while3A_25 : i32
    %while3A_27 = arith.constant 1 : i32
    %while3A_28 = arith.divsi %while3A_25, %while3A_27 : i32
    %while3A_29 = arith.muli %while3A_28, %while3A_27 : i32
    %while3A_30 = arith.addi %while3A_24, %while3A_29 : i32
    %while3A_31 = arith.constant 1 : i32
    scf.for %while3A_39 = %while3A_24 to %while3A_30 step %while3A_31  : i32 {
      %mul3A_40 = arith.constant 16 : i32
      %mul3A_41 = arith.muli %while3A_39, %mul3A_40 : i32
      %mul3A_42 = arith.constant 2 : i32
      %mul3A_43 = arith.muli %mul3A_42, %mul3A_41 : i32
      %add3A_44 = vector.broadcast %mul3A_43 : i32 to vector<16xi32>
      %add3A_45 = arith.addi %mul3A_18, %add3A_44 : vector<16xi32>
      %gather3A = tpu.vector_load_idx %arg7[%add3A_45] : memref<6272xf32, #tpu.memory_space<vmem>>[vector<16xi32>], vector<16xf32>,
      %add3A_46 = arith.constant 1 : i32
      %add3A_47 = vector.broadcast %add3A_46 : i32 to vector<16xi32>
      %add3A_48 = arith.addi %add3A_45, %add3A_47 : vector<16xi32>
      %gather3A_49 = tpu.vector_load_idx %arg7[%add3A_48] : memref<6272xf32, #tpu.memory_space<vmem>>[vector<16xi32>], vector<16xf32>,
      %get3A = arith.index_cast %mul3A_41 : i32 to index
      %get3A_50 = tpu.vector_load %arg8[%get3A] {strides = array<i32>} : memref<3136xi32, #tpu.memory_space<vmem>>, vector<16xi32>,
      %add3A_51 = arith.addi %mul3A_14, %get3A_50 : vector<16xi32>
      tpu.vector_store_idx %arg9[%add3A_51], %gather3A {add = true} : memref<8448xf32, #tpu.memory_space<vmem>>[vector<16xi32>], vector<16xf32>,
      tpu.vector_store_idx %arg10[%add3A_51], %gather3A_49 {add = true} : memref<8448xf32, #tpu.memory_space<vmem>>[vector<16xi32>], vector<16xf32>,
      tpu.vector_store_idx %arg11[%add3A_51], %broadcast_in_dim3A_11 {add = true} : memref<8448xf32, #tpu.memory_space<vmem>>[vector<16xi32>], vector<16xf32>,
    }
    %while3A_32 = arith.constant 1 : i32
    scf.for %while3A_39 = %while3A_30 to %while3A_26 step %while3A_32  : i32 {
      %mul3A_40 = arith.constant 16 : i32
      %mul3A_41 = arith.muli %while3A_39, %mul3A_40 : i32
      %mul3A_42 = arith.constant 2 : i32
      %mul3A_43 = arith.muli %mul3A_42, %mul3A_41 : i32
      %add3A_44 = vector.broadcast %mul3A_43 : i32 to vector<16xi32>
      %add3A_45 = arith.addi %mul3A_18, %add3A_44 : vector<16xi32>
      %gather3A = tpu.vector_load_idx %arg7[%add3A_45] : memref<6272xf32, #tpu.memory_space<vmem>>[vector<16xi32>], vector<16xf32>,
      %add3A_46 = arith.constant 1 : i32
      %add3A_47 = vector.broadcast %add3A_46 : i32 to vector<16xi32>
      %add3A_48 = arith.addi %add3A_45, %add3A_47 : vector<16xi32>
      %gather3A_49 = tpu.vector_load_idx %arg7[%add3A_48] : memref<6272xf32, #tpu.memory_space<vmem>>[vector<16xi32>], vector<16xf32>,
      %get3A = arith.index_cast %mul3A_41 : i32 to index
      %get3A_50 = tpu.vector_load %arg8[%get3A] {strides = array<i32>} : memref<3136xi32, #tpu.memory_space<vmem>>, vector<16xi32>,
      %add3A_51 = arith.addi %mul3A_14, %get3A_50 : vector<16xi32>
      tpu.vector_store_idx %arg9[%add3A_51], %gather3A {add = true} : memref<8448xf32, #tpu.memory_space<vmem>>[vector<16xi32>], vector<16xf32>,
      tpu.vector_store_idx %arg10[%add3A_51], %gather3A_49 {add = true} : memref<8448xf32, #tpu.memory_space<vmem>>[vector<16xi32>], vector<16xf32>,
      tpu.vector_store_idx %arg11[%add3A_51], %broadcast_in_dim3A_11 {add = true} : memref<8448xf32, #tpu.memory_space<vmem>>[vector<16xi32>], vector<16xf32>,
    }
    %scan3A_33 = arith.constant 0 : i32
    %scan3A_34 = arith.constant 0 : i32
    %scan3A_35 = arith.constant 33 : i32
    %scan3A_36 = arith.addi %scan3A_34, %scan3A_35 : i32
    %scan3A_37 = arith.constant 1 : i32
    scf.for %scan3A_39 = %scan3A_34 to %scan3A_36 step %scan3A_37  : i32 {
      %mul3A_40 = arith.constant 16 : i32
      %mul3A_41 = arith.muli %scan3A_39, %mul3A_40 : i32
      %get3A = arith.index_cast %mul3A_41 : i32 to index
      %get3A_42 = tpu.vector_load %arg9[%get3A] {strides = array<i32>} : memref<8448xf32, #tpu.memory_space<vmem>>, vector<16xf32>,
      %get3A_43 = arith.index_cast %mul3A_41 : i32 to index
      %get3A_44 = tpu.vector_load %arg10[%get3A_43] {strides = array<i32>} : memref<8448xf32, #tpu.memory_space<vmem>>, vector<16xf32>,
      %get3A_45 = arith.index_cast %mul3A_41 : i32 to index
      %get3A_46 = tpu.vector_load %arg11[%get3A_45] {strides = array<i32>} : memref<8448xf32, #tpu.memory_space<vmem>>, vector<16xf32>,
      %add3A_47 = arith.constant 528 : i32
      %add3A_48 = arith.addi %mul3A_41, %add3A_47 : i32
      %get3A_49 = arith.index_cast %add3A_48 : i32 to index
      %get3A_50 = tpu.vector_load %arg9[%get3A_49] {strides = array<i32>} : memref<8448xf32, #tpu.memory_space<vmem>>, vector<16xf32>,
      %add3A_51 = arith.addf %get3A_42, %get3A_50 : vector<16xf32>
      %add3A_52 = arith.constant 528 : i32
      %add3A_53 = arith.addi %mul3A_41, %add3A_52 : i32
      %get3A_54 = arith.index_cast %add3A_53 : i32 to index
      %get3A_55 = tpu.vector_load %arg10[%get3A_54] {strides = array<i32>} : memref<8448xf32, #tpu.memory_space<vmem>>, vector<16xf32>,
      %add3A_56 = arith.addf %get3A_44, %get3A_55 : vector<16xf32>
      %add3A_57 = arith.constant 528 : i32
      %add3A_58 = arith.addi %mul3A_41, %add3A_57 : i32
      %get3A_59 = arith.index_cast %add3A_58 : i32 to index
      %get3A_60 = tpu.vector_load %arg11[%get3A_59] {strides = array<i32>} : memref<8448xf32, #tpu.memory_space<vmem>>, vector<16xf32>,
      %add3A_61 = arith.addf %get3A_46, %get3A_60 : vector<16xf32>
      %add3A_62 = arith.constant 1056 : i32
      %add3A_63 = arith.addi %mul3A_41, %add3A_62 : i32
      %get3A_64 = arith.index_cast %add3A_63 : i32 to index
      %get3A_65 = tpu.vector_load %arg9[%get3A_64] {strides = array<i32>} : memref<8448xf32, #tpu.memory_space<vmem>>, vector<16xf32>,
      %add3A_66 = arith.addf %add3A_51, %get3A_65 : vector<16xf32>
      %add3A_67 = arith.constant 1056 : i32
      %add3A_68 = arith.addi %mul3A_41, %add3A_67 : i32
      %get3A_69 = arith.index_cast %add3A_68 : i32 to index
      %get3A_70 = tpu.vector_load %arg10[%get3A_69] {strides = array<i32>} : memref<8448xf32, #tpu.memory_space<vmem>>, vector<16xf32>,
      %add3A_71 = arith.addf %add3A_56, %get3A_70 : vector<16xf32>
      %add3A_72 = arith.constant 1056 : i32
      %add3A_73 = arith.addi %mul3A_41, %add3A_72 : i32
      %get3A_74 = arith.index_cast %add3A_73 : i32 to index
      %get3A_75 = tpu.vector_load %arg11[%get3A_74] {strides = array<i32>} : memref<8448xf32, #tpu.memory_space<vmem>>, vector<16xf32>,
      %add3A_76 = arith.addf %add3A_61, %get3A_75 : vector<16xf32>
      %add3A_77 = arith.constant 1584 : i32
      %add3A_78 = arith.addi %mul3A_41, %add3A_77 : i32
      %get3A_79 = arith.index_cast %add3A_78 : i32 to index
      %get3A_80 = tpu.vector_load %arg9[%get3A_79] {strides = array<i32>} : memref<8448xf32, #tpu.memory_space<vmem>>, vector<16xf32>,
      %add3A_81 = arith.addf %add3A_66, %get3A_80 : vector<16xf32>
      %add3A_82 = arith.constant 1584 : i32
      %add3A_83 = arith.addi %mul3A_41, %add3A_82 : i32
      %get3A_84 = arith.index_cast %add3A_83 : i32 to index
      %get3A_85 = tpu.vector_load %arg10[%get3A_84] {strides = array<i32>} : memref<8448xf32, #tpu.memory_space<vmem>>, vector<16xf32>,
      %add3A_86 = arith.addf %add3A_71, %get3A_85 : vector<16xf32>
      %add3A_87 = arith.constant 1584 : i32
      %add3A_88 = arith.addi %mul3A_41, %add3A_87 : i32
      %get3A_89 = arith.index_cast %add3A_88 : i32 to index
      %get3A_90 = tpu.vector_load %arg11[%get3A_89] {strides = array<i32>} : memref<8448xf32, #tpu.memory_space<vmem>>, vector<16xf32>,
      %add3A_91 = arith.addf %add3A_76, %get3A_90 : vector<16xf32>
      %add3A_92 = arith.constant 2112 : i32
      %add3A_93 = arith.addi %mul3A_41, %add3A_92 : i32
      %get3A_94 = arith.index_cast %add3A_93 : i32 to index
      %get3A_95 = tpu.vector_load %arg9[%get3A_94] {strides = array<i32>} : memref<8448xf32, #tpu.memory_space<vmem>>, vector<16xf32>,
      %add3A_96 = arith.addf %add3A_81, %get3A_95 : vector<16xf32>
      %add3A_97 = arith.constant 2112 : i32
      %add3A_98 = arith.addi %mul3A_41, %add3A_97 : i32
      %get3A_99 = arith.index_cast %add3A_98 : i32 to index
      %get3A_100 = tpu.vector_load %arg10[%get3A_99] {strides = array<i32>} : memref<8448xf32, #tpu.memory_space<vmem>>, vector<16xf32>,
      %add3A_101 = arith.addf %add3A_86, %get3A_100 : vector<16xf32>
      %add3A_102 = arith.constant 2112 : i32
      %add3A_103 = arith.addi %mul3A_41, %add3A_102 : i32
      %get3A_104 = arith.index_cast %add3A_103 : i32 to index
      %get3A_105 = tpu.vector_load %arg11[%get3A_104] {strides = array<i32>} : memref<8448xf32, #tpu.memory_space<vmem>>, vector<16xf32>,
      %add3A_106 = arith.addf %add3A_91, %get3A_105 : vector<16xf32>
      %add3A_107 = arith.constant 2640 : i32
      %add3A_108 = arith.addi %mul3A_41, %add3A_107 : i32
      %get3A_109 = arith.index_cast %add3A_108 : i32 to index
      %get3A_110 = tpu.vector_load %arg9[%get3A_109] {strides = array<i32>} : memref<8448xf32, #tpu.memory_space<vmem>>, vector<16xf32>,
      %add3A_111 = arith.addf %add3A_96, %get3A_110 : vector<16xf32>
      %add3A_112 = arith.constant 2640 : i32
      %add3A_113 = arith.addi %mul3A_41, %add3A_112 : i32
      %get3A_114 = arith.index_cast %add3A_113 : i32 to index
      %get3A_115 = tpu.vector_load %arg10[%get3A_114] {strides = array<i32>} : memref<8448xf32, #tpu.memory_space<vmem>>, vector<16xf32>,
      %add3A_116 = arith.addf %add3A_101, %get3A_115 : vector<16xf32>
      %add3A_117 = arith.constant 2640 : i32
      %add3A_118 = arith.addi %mul3A_41, %add3A_117 : i32
      %get3A_119 = arith.index_cast %add3A_118 : i32 to index
      %get3A_120 = tpu.vector_load %arg11[%get3A_119] {strides = array<i32>} : memref<8448xf32, #tpu.memory_space<vmem>>, vector<16xf32>,
      %add3A_121 = arith.addf %add3A_106, %get3A_120 : vector<16xf32>
      %add3A_122 = arith.constant 3168 : i32
      %add3A_123 = arith.addi %mul3A_41, %add3A_122 : i32
      %get3A_124 = arith.index_cast %add3A_123 : i32 to index
      %get3A_125 = tpu.vector_load %arg9[%get3A_124] {strides = array<i32>} : memref<8448xf32, #tpu.memory_space<vmem>>, vector<16xf32>,
      %add3A_126 = arith.addf %add3A_111, %get3A_125 : vector<16xf32>
      %add3A_127 = arith.constant 3168 : i32
      %add3A_128 = arith.addi %mul3A_41, %add3A_127 : i32
      %get3A_129 = arith.index_cast %add3A_128 : i32 to index
      %get3A_130 = tpu.vector_load %arg10[%get3A_129] {strides = array<i32>} : memref<8448xf32, #tpu.memory_space<vmem>>, vector<16xf32>,
      %add3A_131 = arith.addf %add3A_116, %get3A_130 : vector<16xf32>
      %add3A_132 = arith.constant 3168 : i32
      %add3A_133 = arith.addi %mul3A_41, %add3A_132 : i32
      %get3A_134 = arith.index_cast %add3A_133 : i32 to index
      %get3A_135 = tpu.vector_load %arg11[%get3A_134] {strides = array<i32>} : memref<8448xf32, #tpu.memory_space<vmem>>, vector<16xf32>,
      %add3A_136 = arith.addf %add3A_121, %get3A_135 : vector<16xf32>
      %add3A_137 = arith.constant 3696 : i32
      %add3A_138 = arith.addi %mul3A_41, %add3A_137 : i32
      %get3A_139 = arith.index_cast %add3A_138 : i32 to index
      %get3A_140 = tpu.vector_load %arg9[%get3A_139] {strides = array<i32>} : memref<8448xf32, #tpu.memory_space<vmem>>, vector<16xf32>,
      %add3A_141 = arith.addf %add3A_126, %get3A_140 : vector<16xf32>
      %add3A_142 = arith.constant 3696 : i32
      %add3A_143 = arith.addi %mul3A_41, %add3A_142 : i32
      %get3A_144 = arith.index_cast %add3A_143 : i32 to index
      %get3A_145 = tpu.vector_load %arg10[%get3A_144] {strides = array<i32>} : memref<8448xf32, #tpu.memory_space<vmem>>, vector<16xf32>,
      %add3A_146 = arith.addf %add3A_131, %get3A_145 : vector<16xf32>
      %add3A_147 = arith.constant 3696 : i32
      %add3A_148 = arith.addi %mul3A_41, %add3A_147 : i32
      %get3A_149 = arith.index_cast %add3A_148 : i32 to index
      %get3A_150 = tpu.vector_load %arg11[%get3A_149] {strides = array<i32>} : memref<8448xf32, #tpu.memory_space<vmem>>, vector<16xf32>,
      %add3A_151 = arith.addf %add3A_136, %get3A_150 : vector<16xf32>
      %add3A_152 = arith.constant 4224 : i32
      %add3A_153 = arith.addi %mul3A_41, %add3A_152 : i32
      %get3A_154 = arith.index_cast %add3A_153 : i32 to index
      %get3A_155 = tpu.vector_load %arg9[%get3A_154] {strides = array<i32>} : memref<8448xf32, #tpu.memory_space<vmem>>, vector<16xf32>,
      %add3A_156 = arith.addf %add3A_141, %get3A_155 : vector<16xf32>
      %add3A_157 = arith.constant 4224 : i32
      %add3A_158 = arith.addi %mul3A_41, %add3A_157 : i32
      %get3A_159 = arith.index_cast %add3A_158 : i32 to index
      %get3A_160 = tpu.vector_load %arg10[%get3A_159] {strides = array<i32>} : memref<8448xf32, #tpu.memory_space<vmem>>, vector<16xf32>,
      %add3A_161 = arith.addf %add3A_146, %get3A_160 : vector<16xf32>
      %add3A_162 = arith.constant 4224 : i32
      %add3A_163 = arith.addi %mul3A_41, %add3A_162 : i32
      %get3A_164 = arith.index_cast %add3A_163 : i32 to index
      %get3A_165 = tpu.vector_load %arg11[%get3A_164] {strides = array<i32>} : memref<8448xf32, #tpu.memory_space<vmem>>, vector<16xf32>,
      %add3A_166 = arith.addf %add3A_151, %get3A_165 : vector<16xf32>
      %add3A_167 = arith.constant 4752 : i32
      %add3A_168 = arith.addi %mul3A_41, %add3A_167 : i32
      %get3A_169 = arith.index_cast %add3A_168 : i32 to index
      %get3A_170 = tpu.vector_load %arg9[%get3A_169] {strides = array<i32>} : memref<8448xf32, #tpu.memory_space<vmem>>, vector<16xf32>,
      %add3A_171 = arith.addf %add3A_156, %get3A_170 : vector<16xf32>
      %add3A_172 = arith.constant 4752 : i32
      %add3A_173 = arith.addi %mul3A_41, %add3A_172 : i32
      %get3A_174 = arith.index_cast %add3A_173 : i32 to index
      %get3A_175 = tpu.vector_load %arg10[%get3A_174] {strides = array<i32>} : memref<8448xf32, #tpu.memory_space<vmem>>, vector<16xf32>,
      %add3A_176 = arith.addf %add3A_161, %get3A_175 : vector<16xf32>
      %add3A_177 = arith.constant 4752 : i32
      %add3A_178 = arith.addi %mul3A_41, %add3A_177 : i32
      %get3A_179 = arith.index_cast %add3A_178 : i32 to index
      %get3A_180 = tpu.vector_load %arg11[%get3A_179] {strides = array<i32>} : memref<8448xf32, #tpu.memory_space<vmem>>, vector<16xf32>,
      %add3A_181 = arith.addf %add3A_166, %get3A_180 : vector<16xf32>
      %add3A_182 = arith.constant 5280 : i32
      %add3A_183 = arith.addi %mul3A_41, %add3A_182 : i32
      %get3A_184 = arith.index_cast %add3A_183 : i32 to index
      %get3A_185 = tpu.vector_load %arg9[%get3A_184] {strides = array<i32>} : memref<8448xf32, #tpu.memory_space<vmem>>, vector<16xf32>,
      %add3A_186 = arith.addf %add3A_171, %get3A_185 : vector<16xf32>
      %add3A_187 = arith.constant 5280 : i32
      %add3A_188 = arith.addi %mul3A_41, %add3A_187 : i32
      %get3A_189 = arith.index_cast %add3A_188 : i32 to index
      %get3A_190 = tpu.vector_load %arg10[%get3A_189] {strides = array<i32>} : memref<8448xf32, #tpu.memory_space<vmem>>, vector<16xf32>,
      %add3A_191 = arith.addf %add3A_176, %get3A_190 : vector<16xf32>
      %add3A_192 = arith.constant 5280 : i32
      %add3A_193 = arith.addi %mul3A_41, %add3A_192 : i32
      %get3A_194 = arith.index_cast %add3A_193 : i32 to index
      %get3A_195 = tpu.vector_load %arg11[%get3A_194] {strides = array<i32>} : memref<8448xf32, #tpu.memory_space<vmem>>, vector<16xf32>,
      %add3A_196 = arith.addf %add3A_181, %get3A_195 : vector<16xf32>
      %add3A_197 = arith.constant 5808 : i32
      %add3A_198 = arith.addi %mul3A_41, %add3A_197 : i32
      %get3A_199 = arith.index_cast %add3A_198 : i32 to index
      %get3A_200 = tpu.vector_load %arg9[%get3A_199] {strides = array<i32>} : memref<8448xf32, #tpu.memory_space<vmem>>, vector<16xf32>,
      %add3A_201 = arith.addf %add3A_186, %get3A_200 : vector<16xf32>
      %add3A_202 = arith.constant 5808 : i32
      %add3A_203 = arith.addi %mul3A_41, %add3A_202 : i32
      %get3A_204 = arith.index_cast %add3A_203 : i32 to index
      %get3A_205 = tpu.vector_load %arg10[%get3A_204] {strides = array<i32>} : memref<8448xf32, #tpu.memory_space<vmem>>, vector<16xf32>,
      %add3A_206 = arith.addf %add3A_191, %get3A_205 : vector<16xf32>
      %add3A_207 = arith.constant 5808 : i32
      %add3A_208 = arith.addi %mul3A_41, %add3A_207 : i32
      %get3A_209 = arith.index_cast %add3A_208 : i32 to index
      %get3A_210 = tpu.vector_load %arg11[%get3A_209] {strides = array<i32>} : memref<8448xf32, #tpu.memory_space<vmem>>, vector<16xf32>,
      %add3A_211 = arith.addf %add3A_196, %get3A_210 : vector<16xf32>
      %add3A_212 = arith.constant 6336 : i32
      %add3A_213 = arith.addi %mul3A_41, %add3A_212 : i32
      %get3A_214 = arith.index_cast %add3A_213 : i32 to index
      %get3A_215 = tpu.vector_load %arg9[%get3A_214] {strides = array<i32>} : memref<8448xf32, #tpu.memory_space<vmem>>, vector<16xf32>,
      %add3A_216 = arith.addf %add3A_201, %get3A_215 : vector<16xf32>
      %add3A_217 = arith.constant 6336 : i32
      %add3A_218 = arith.addi %mul3A_41, %add3A_217 : i32
      %get3A_219 = arith.index_cast %add3A_218 : i32 to index
      %get3A_220 = tpu.vector_load %arg10[%get3A_219] {strides = array<i32>} : memref<8448xf32, #tpu.memory_space<vmem>>, vector<16xf32>,
      %add3A_221 = arith.addf %add3A_206, %get3A_220 : vector<16xf32>
      %add3A_222 = arith.constant 6336 : i32
      %add3A_223 = arith.addi %mul3A_41, %add3A_222 : i32
      %get3A_224 = arith.index_cast %add3A_223 : i32 to index
      %get3A_225 = tpu.vector_load %arg11[%get3A_224] {strides = array<i32>} : memref<8448xf32, #tpu.memory_space<vmem>>, vector<16xf32>,
      %add3A_226 = arith.addf %add3A_211, %get3A_225 : vector<16xf32>
      %add3A_227 = arith.constant 6864 : i32
      %add3A_228 = arith.addi %mul3A_41, %add3A_227 : i32
      %get3A_229 = arith.index_cast %add3A_228 : i32 to index
      %get3A_230 = tpu.vector_load %arg9[%get3A_229] {strides = array<i32>} : memref<8448xf32, #tpu.memory_space<vmem>>, vector<16xf32>,
      %add3A_231 = arith.addf %add3A_216, %get3A_230 : vector<16xf32>
      %add3A_232 = arith.constant 6864 : i32
      %add3A_233 = arith.addi %mul3A_41, %add3A_232 : i32
      %get3A_234 = arith.index_cast %add3A_233 : i32 to index
      %get3A_235 = tpu.vector_load %arg10[%get3A_234] {strides = array<i32>} : memref<8448xf32, #tpu.memory_space<vmem>>, vector<16xf32>,
      %add3A_236 = arith.addf %add3A_221, %get3A_235 : vector<16xf32>
      %add3A_237 = arith.constant 6864 : i32
      %add3A_238 = arith.addi %mul3A_41, %add3A_237 : i32
      %get3A_239 = arith.index_cast %add3A_238 : i32 to index
      %get3A_240 = tpu.vector_load %arg11[%get3A_239] {strides = array<i32>} : memref<8448xf32, #tpu.memory_space<vmem>>, vector<16xf32>,
      %add3A_241 = arith.addf %add3A_226, %get3A_240 : vector<16xf32>
      %add3A_242 = arith.constant 7392 : i32
      %add3A_243 = arith.addi %mul3A_41, %add3A_242 : i32
      %get3A_244 = arith.index_cast %add3A_243 : i32 to index
      %get3A_245 = tpu.vector_load %arg9[%get3A_244] {strides = array<i32>} : memref<8448xf32, #tpu.memory_space<vmem>>, vector<16xf32>,
      %add3A_246 = arith.addf %add3A_231, %get3A_245 : vector<16xf32>
      %add3A_247 = arith.constant 7392 : i32
      %add3A_248 = arith.addi %mul3A_41, %add3A_247 : i32
      %get3A_249 = arith.index_cast %add3A_248 : i32 to index
      %get3A_250 = tpu.vector_load %arg10[%get3A_249] {strides = array<i32>} : memref<8448xf32, #tpu.memory_space<vmem>>, vector<16xf32>,
      %add3A_251 = arith.addf %add3A_236, %get3A_250 : vector<16xf32>
      %add3A_252 = arith.constant 7392 : i32
      %add3A_253 = arith.addi %mul3A_41, %add3A_252 : i32
      %get3A_254 = arith.index_cast %add3A_253 : i32 to index
      %get3A_255 = tpu.vector_load %arg11[%get3A_254] {strides = array<i32>} : memref<8448xf32, #tpu.memory_space<vmem>>, vector<16xf32>,
      %add3A_256 = arith.addf %add3A_241, %get3A_255 : vector<16xf32>
      %add3A_257 = arith.constant 7920 : i32
      %add3A_258 = arith.addi %mul3A_41, %add3A_257 : i32
      %get3A_259 = arith.index_cast %add3A_258 : i32 to index
      %get3A_260 = tpu.vector_load %arg9[%get3A_259] {strides = array<i32>} : memref<8448xf32, #tpu.memory_space<vmem>>, vector<16xf32>,
      %add3A_261 = arith.addf %add3A_246, %get3A_260 : vector<16xf32>
      %add3A_262 = arith.constant 7920 : i32
      %add3A_263 = arith.addi %mul3A_41, %add3A_262 : i32
      %get3A_264 = arith.index_cast %add3A_263 : i32 to index
      %get3A_265 = tpu.vector_load %arg10[%get3A_264] {strides = array<i32>} : memref<8448xf32, #tpu.memory_space<vmem>>, vector<16xf32>,
      %add3A_266 = arith.addf %add3A_251, %get3A_265 : vector<16xf32>
      %add3A_267 = arith.constant 7920 : i32
      %add3A_268 = arith.addi %mul3A_41, %add3A_267 : i32
      %get3A_269 = arith.index_cast %add3A_268 : i32 to index
      %get3A_270 = tpu.vector_load %arg11[%get3A_269] {strides = array<i32>} : memref<8448xf32, #tpu.memory_space<vmem>>, vector<16xf32>,
      %add3A_271 = arith.addf %add3A_256, %get3A_270 : vector<16xf32>
      %swap3A = arith.index_cast %mul3A_41 : i32 to index
      %swap3A_272 = tpu.vector_load %arg12[%swap3A] {strides = array<i32>} : memref<528xf32, #tpu.memory_space<vmem>>, vector<16xf32>,
      tpu.vector_store %arg12[%swap3A], %add3A_261 {strides = array<i32>} : memref<528xf32, #tpu.memory_space<vmem>>, vector<16xf32>,
      %swap3A_273 = arith.index_cast %mul3A_41 : i32 to index
      %swap3A_274 = tpu.vector_load %arg13[%swap3A_273] {strides = array<i32>} : memref<528xf32, #tpu.memory_space<vmem>>, vector<16xf32>,
      tpu.vector_store %arg13[%swap3A_273], %add3A_266 {strides = array<i32>} : memref<528xf32, #tpu.memory_space<vmem>>, vector<16xf32>,
      %swap3A_275 = arith.index_cast %mul3A_41 : i32 to index
      %swap3A_276 = tpu.vector_load %arg14[%swap3A_275] {strides = array<i32>} : memref<528xf32, #tpu.memory_space<vmem>>, vector<16xf32>,
      tpu.vector_store %arg14[%swap3A_275], %add3A_271 {strides = array<i32>} : memref<528xf32, #tpu.memory_space<vmem>>, vector<16xf32>,
    }
    %scan3A_38 = arith.constant 33 : i32
    "tpu.region"() ({
      %run_scoped3A = tpu.sem_alloc : memref<!tpu.dma_semaphore, #tpu.memory_space<semaphore_mem>>
      %dma_start3A = arith.constant 0 : i32
      %dma_start3A_39 = tpu.memref_slice %arg4[%add3A, %dma_start3A] : memref<32x528xf32, #tpu.memory_space<hbm>> -> memref<1x528xf32, #tpu.memory_space<hbm>>
      %dma_start3A_40 = tpu.memref_squeeze %dma_start3A_39 : memref<1x528xf32, #tpu.memory_space<hbm>> -> memref<528xf32, #tpu.memory_space<hbm>>
      %dma_start3A_41 = arith.constant 0 : i32
      %dma_start3A_42 = tpu.memref_slice %arg4[%add3A, %dma_start3A_41] : memref<32x528xf32, #tpu.memory_space<hbm>> -> memref<1x528xf32, #tpu.memory_space<hbm>>
      %dma_start3A_43 = tpu.memref_squeeze %dma_start3A_42 : memref<1x528xf32, #tpu.memory_space<hbm>> -> memref<528xf32, #tpu.memory_space<hbm>>
      tpu.enqueue_dma source(%arg12 : memref<528xf32, #tpu.memory_space<vmem>>) target(%dma_start3A_43 : memref<528xf32, #tpu.memory_space<hbm>>) target_semaphore(%run_scoped3A : memref<!tpu.dma_semaphore, #tpu.memory_space<semaphore_mem>>)
      %dma_wait3A = arith.constant 0 : i32
      %dma_wait3A_44 = tpu.memref_slice %arg4[%add3A, %dma_wait3A] : memref<32x528xf32, #tpu.memory_space<hbm>> -> memref<1x528xf32, #tpu.memory_space<hbm>>
      %dma_wait3A_45 = tpu.memref_squeeze %dma_wait3A_44 : memref<1x528xf32, #tpu.memory_space<hbm>> -> memref<528xf32, #tpu.memory_space<hbm>>
      %dma_wait3A_46 = arith.constant 0 : i32
      %dma_wait3A_47 = tpu.memref_slice %arg4[%add3A, %dma_wait3A_46] : memref<32x528xf32, #tpu.memory_space<hbm>> -> memref<1x528xf32, #tpu.memory_space<hbm>>
      %dma_wait3A_48 = tpu.memref_squeeze %dma_wait3A_47 : memref<1x528xf32, #tpu.memory_space<hbm>> -> memref<528xf32, #tpu.memory_space<hbm>>
      tpu.wait_dma2 semaphore(%run_scoped3A : memref<!tpu.dma_semaphore, #tpu.memory_space<semaphore_mem>>) src(%arg12 : memref<528xf32, #tpu.memory_space<vmem>>) dst(%dma_wait3A_48 : memref<528xf32, #tpu.memory_space<hbm>>)
      tpu.yield
    }) : () -> ()
    "tpu.region"() ({
      %run_scoped3A = tpu.sem_alloc : memref<!tpu.dma_semaphore, #tpu.memory_space<semaphore_mem>>
      %dma_start3A = arith.constant 0 : i32
      %dma_start3A_39 = tpu.memref_slice %arg5[%add3A, %dma_start3A] : memref<32x528xf32, #tpu.memory_space<hbm>> -> memref<1x528xf32, #tpu.memory_space<hbm>>
      %dma_start3A_40 = tpu.memref_squeeze %dma_start3A_39 : memref<1x528xf32, #tpu.memory_space<hbm>> -> memref<528xf32, #tpu.memory_space<hbm>>
      %dma_start3A_41 = arith.constant 0 : i32
      %dma_start3A_42 = tpu.memref_slice %arg5[%add3A, %dma_start3A_41] : memref<32x528xf32, #tpu.memory_space<hbm>> -> memref<1x528xf32, #tpu.memory_space<hbm>>
      %dma_start3A_43 = tpu.memref_squeeze %dma_start3A_42 : memref<1x528xf32, #tpu.memory_space<hbm>> -> memref<528xf32, #tpu.memory_space<hbm>>
      tpu.enqueue_dma source(%arg13 : memref<528xf32, #tpu.memory_space<vmem>>) target(%dma_start3A_43 : memref<528xf32, #tpu.memory_space<hbm>>) target_semaphore(%run_scoped3A : memref<!tpu.dma_semaphore, #tpu.memory_space<semaphore_mem>>)
      %dma_wait3A = arith.constant 0 : i32
      %dma_wait3A_44 = tpu.memref_slice %arg5[%add3A, %dma_wait3A] : memref<32x528xf32, #tpu.memory_space<hbm>> -> memref<1x528xf32, #tpu.memory_space<hbm>>
      %dma_wait3A_45 = tpu.memref_squeeze %dma_wait3A_44 : memref<1x528xf32, #tpu.memory_space<hbm>> -> memref<528xf32, #tpu.memory_space<hbm>>
      %dma_wait3A_46 = arith.constant 0 : i32
      %dma_wait3A_47 = tpu.memref_slice %arg5[%add3A, %dma_wait3A_46] : memref<32x528xf32, #tpu.memory_space<hbm>> -> memref<1x528xf32, #tpu.memory_space<hbm>>
      %dma_wait3A_48 = tpu.memref_squeeze %dma_wait3A_47 : memref<1x528xf32, #tpu.memory_space<hbm>> -> memref<528xf32, #tpu.memory_space<hbm>>
      tpu.wait_dma2 semaphore(%run_scoped3A : memref<!tpu.dma_semaphore, #tpu.memory_space<semaphore_mem>>) src(%arg13 : memref<528xf32, #tpu.memory_space<vmem>>) dst(%dma_wait3A_48 : memref<528xf32, #tpu.memory_space<hbm>>)
      tpu.yield
    }) : () -> ()
    "tpu.region"() ({
      %run_scoped3A = tpu.sem_alloc : memref<!tpu.dma_semaphore, #tpu.memory_space<semaphore_mem>>
      %dma_start3A = arith.constant 0 : i32
      %dma_start3A_39 = tpu.memref_slice %arg6[%add3A, %dma_start3A] : memref<32x528xf32, #tpu.memory_space<hbm>> -> memref<1x528xf32, #tpu.memory_space<hbm>>
      %dma_start3A_40 = tpu.memref_squeeze %dma_start3A_39 : memref<1x528xf32, #tpu.memory_space<hbm>> -> memref<528xf32, #tpu.memory_space<hbm>>
      %dma_start3A_41 = arith.constant 0 : i32
      %dma_start3A_42 = tpu.memref_slice %arg6[%add3A, %dma_start3A_41] : memref<32x528xf32, #tpu.memory_space<hbm>> -> memref<1x528xf32, #tpu.memory_space<hbm>>
      %dma_start3A_43 = tpu.memref_squeeze %dma_start3A_42 : memref<1x528xf32, #tpu.memory_space<hbm>> -> memref<528xf32, #tpu.memory_space<hbm>>
      tpu.enqueue_dma source(%arg14 : memref<528xf32, #tpu.memory_space<vmem>>) target(%dma_start3A_43 : memref<528xf32, #tpu.memory_space<hbm>>) target_semaphore(%run_scoped3A : memref<!tpu.dma_semaphore, #tpu.memory_space<semaphore_mem>>)
      %dma_wait3A = arith.constant 0 : i32
      %dma_wait3A_44 = tpu.memref_slice %arg6[%add3A, %dma_wait3A] : memref<32x528xf32, #tpu.memory_space<hbm>> -> memref<1x528xf32, #tpu.memory_space<hbm>>
      %dma_wait3A_45 = tpu.memref_squeeze %dma_wait3A_44 : memref<1x528xf32, #tpu.memory_space<hbm>> -> memref<528xf32, #tpu.memory_space<hbm>>
      %dma_wait3A_46 = arith.constant 0 : i32
      %dma_wait3A_47 = tpu.memref_slice %arg6[%add3A, %dma_wait3A_46] : memref<32x528xf32, #tpu.memory_space<hbm>> -> memref<1x528xf32, #tpu.memory_space<hbm>>
      %dma_wait3A_48 = tpu.memref_squeeze %dma_wait3A_47 : memref<1x528xf32, #tpu.memory_space<hbm>> -> memref<528xf32, #tpu.memory_space<hbm>>
      tpu.wait_dma2 semaphore(%run_scoped3A : memref<!tpu.dma_semaphore, #tpu.memory_space<semaphore_mem>>) src(%arg14 : memref<528xf32, #tpu.memory_space<vmem>>) dst(%dma_wait3A_48 : memref<528xf32, #tpu.memory_space<hbm>>)
      tpu.yield
    }) : () -> ()
    return
  }
}

module attributes {stable_mosaic.version = 14 : i64} {
  func.func @body(%arg0: memref<32x528xf32, #tpu.memory_space<vmem>>, %arg1: memref<32x528xf32, #tpu.memory_space<vmem>>, %arg2: memref<32x528xf32, #tpu.memory_space<vmem>>, %arg3: memref<2x32xf32, #tpu.memory_space<vmem>>, %arg4: memref<32xf32, #tpu.memory_space<vmem>>, %arg5: memref<32x32xf32, #tpu.memory_space<vmem>>, %arg6: memref<32xf32, #tpu.memory_space<vmem>>, %arg7: memref<512x32xf32, #tpu.memory_space<vmem>>) attributes {dimension_semantics = [], scalar_prefetch = 0 : i64, scratch_operands = 0 : i64, tpu.core_type = #tpu.core_type<tc>} {
    %get3A = arith.constant 0 : index
    %get3A_0 = arith.constant 0 : index
    %get3A_1 = vector.load %arg0[%get3A, %get3A_0] : memref<32x528xf32, #tpu.memory_space<vmem>>, vector<32x528xf32>
    %reduce_sum3A = arith.constant dense<0.000000e+00> : vector<528xf32>
    %reduce_sum3A_2 = vector.multi_reduction <add>, %get3A_1, %reduce_sum3A [0] : vector<32x528xf32> to vector<528xf32>
    %slice3A = vector.extract_strided_slice %reduce_sum3A_2 {offsets = [0], sizes = [512], strides = [1]} : vector<528xf32> to vector<512xf32>
    %get3A_3 = arith.constant 0 : index
    %get3A_4 = arith.constant 0 : index
    %get3A_5 = vector.load %arg1[%get3A_3, %get3A_4] : memref<32x528xf32, #tpu.memory_space<vmem>>, vector<32x528xf32>
    %reduce_sum3A_6 = arith.constant dense<0.000000e+00> : vector<528xf32>
    %reduce_sum3A_7 = vector.multi_reduction <add>, %get3A_5, %reduce_sum3A_6 [0] : vector<32x528xf32> to vector<528xf32>
    %slice3A_8 = vector.extract_strided_slice %reduce_sum3A_7 {offsets = [0], sizes = [512], strides = [1]} : vector<528xf32> to vector<512xf32>
    %get3A_9 = arith.constant 0 : index
    %get3A_10 = arith.constant 0 : index
    %get3A_11 = vector.load %arg2[%get3A_9, %get3A_10] : memref<32x528xf32, #tpu.memory_space<vmem>>, vector<32x528xf32>
    %reduce_sum3A_12 = arith.constant dense<0.000000e+00> : vector<528xf32>
    %reduce_sum3A_13 = vector.multi_reduction <add>, %get3A_11, %reduce_sum3A_12 [0] : vector<32x528xf32> to vector<528xf32>
    %slice3A_14 = vector.extract_strided_slice %reduce_sum3A_13 {offsets = [0], sizes = [512], strides = [1]} : vector<528xf32> to vector<512xf32>
    %max3A = arith.constant 1.000000e+00 : f32
    %max3A_15 = vector.broadcast %max3A : f32 to vector<512xf32>
    %max3A_16 = arith.maximumf %slice3A_14, %max3A_15 : vector<512xf32>
    %div3A = arith.divf %slice3A, %max3A_16 : vector<512xf32>
    %broadcast_in_dim3A = vector.shape_cast %div3A : vector<512xf32> to vector<512x1xf32>
    %div3A_17 = arith.divf %slice3A_8, %max3A_16 : vector<512xf32>
    %broadcast_in_dim3A_18 = vector.shape_cast %div3A_17 : vector<512xf32> to vector<512x1xf32>
    %get3A_19 = arith.constant 0 : index
    %get3A_20 = arith.constant 0 : index
    %get3A_21 = vector.load %arg3[%get3A_19, %get3A_20] : memref<2x32xf32, #tpu.memory_space<vmem>>, vector<2x32xf32>
    %slice3A_22 = vector.extract_strided_slice %get3A_21 {offsets = [0, 0], sizes = [1, 32], strides = [1, 1]} : vector<2x32xf32> to vector<1x32xf32>
    %mul3A = vector.broadcast %broadcast_in_dim3A : vector<512x1xf32> to vector<512x32xf32>
    %mul3A_23 = vector.broadcast %slice3A_22 : vector<1x32xf32> to vector<512x32xf32>
    %mul3A_24 = arith.mulf %mul3A, %mul3A_23 : vector<512x32xf32>
    %slice3A_25 = vector.extract_strided_slice %get3A_21 {offsets = [1, 0], sizes = [1, 32], strides = [1, 1]} : vector<2x32xf32> to vector<1x32xf32>
    %mul3A_26 = vector.broadcast %broadcast_in_dim3A_18 : vector<512x1xf32> to vector<512x32xf32>
    %mul3A_27 = vector.broadcast %slice3A_25 : vector<1x32xf32> to vector<512x32xf32>
    %mul3A_28 = arith.mulf %mul3A_26, %mul3A_27 : vector<512x32xf32>
    %add3A = arith.addf %mul3A_24, %mul3A_28 : vector<512x32xf32>
    %get3A_29 = arith.constant 0 : index
    %get3A_30 = vector.load %arg4[%get3A_29] : memref<32xf32, #tpu.memory_space<vmem>>, vector<32xf32>
    %broadcast_in_dim3A_31 = vector.shape_cast %get3A_30 : vector<32xf32> to vector<1x32xf32>
    %add3A_32 = vector.broadcast %broadcast_in_dim3A_31 : vector<1x32xf32> to vector<512x32xf32>
    %add3A_33 = arith.addf %add3A, %add3A_32 : vector<512x32xf32>
    %max3A_34 = arith.constant 0.000000e+00 : f32
    %max3A_35 = vector.broadcast %max3A_34 : f32 to vector<512x32xf32>
    %max3A_36 = arith.maximumf %add3A_33, %max3A_35 : vector<512x32xf32>
    %get3A_37 = arith.constant 0 : index
    %get3A_38 = arith.constant 0 : index
    %get3A_39 = vector.load %arg5[%get3A_37, %get3A_38] : memref<32x32xf32, #tpu.memory_space<vmem>>, vector<32x32xf32>
    %dot_general3A = arith.constant dense<0.000000e+00> : vector<512x32xf32>
    %dot_general3A_40 = tpu.matmul %max3A_36, %get3A_39, %dot_general3A {dimension_numbers = #tpu.dot_dimension_numbers<[1], [0], [0], [1], [0, 0, 1, 1], [], []>, transpose_lhs_hint = false} : vector<512x32xf32>, vector<32x32xf32>, vector<512x32xf32> -> vector<512x32xf32>
    %get3A_41 = arith.constant 0 : index
    %get3A_42 = vector.load %arg6[%get3A_41] : memref<32xf32, #tpu.memory_space<vmem>>, vector<32xf32>
    %broadcast_in_dim3A_43 = vector.shape_cast %get3A_42 : vector<32xf32> to vector<1x32xf32>
    %add3A_44 = vector.broadcast %broadcast_in_dim3A_43 : vector<1x32xf32> to vector<512x32xf32>
    %add3A_45 = arith.addf %dot_general3A_40, %add3A_44 : vector<512x32xf32>
    %swap3A = arith.constant 0 : index
    %swap3A_46 = arith.constant 0 : index
    %swap3A_47 = vector.load %arg7[%swap3A, %swap3A_46] : memref<512x32xf32, #tpu.memory_space<vmem>>, vector<512x32xf32>
    tpu.vector_store %arg7[%swap3A, %swap3A_46], %add3A_45 {strides = array<i32>} : memref<512x32xf32, #tpu.memory_space<vmem>>, vector<512x32xf32>,
    return
  }
}

</mosaic_0001>

<sc_bundles>
// kernel: kernel.4.cloned.1.call-start
scs
__scs_entry_jumppad:
0x0: {  	(pc) =	sbr.rel $0x88, $3  }
0x1: {  	(tag) =	ssettag $0x0;
	lr =	simm.s32 $0x1  }
0x2: {  	[smem:$0x3F9B] =	sst lr;
	_ =	strace $0xD0000000  }
0x3: {  	_ = 	snop  }
0x4: {  	_ = 	snop  }
0x5: {  	_ = 	snop  }
0x6: {  	_ = 	snop  }
0x7: {  	_ = 	snop  }
__scs_overlays_trampoline_lowered:
0x8: {  	[smem:$0x3FAA] =	sst s0  }
0x9: {  	[smem:$0x3FAB] =	sst s1  }
0xa: {  	[smem:$0x3FAC] =	sst s2  }
0xb: {  	[smem:$0x3FAD] =	sst s3  }
0xc: {  	[smem:$0x3FAE] =	sst s4  }
0xd: {  	[smem:$0x3FAF] =	sst s5  }
0xe: {  	[smem:$0x3FB0] =	sst s6  }
0xf: {  	[smem:$0x3FB1] =	sst s7  }
0x10: {  	[smem:$0x3FB2] =	sst s8  }
0x11: {  	[smem:$0x3FB3] =	sst s9;
	s0 =	simm.s32 @!p0 $0x0  }
0x12: {  	s1 =	sld [smem:$0x3F99];
	s0 =	simm.s32 @p0 $0x1  }
0x13: {  	[smem:$0x3FB4] =	sst s0;
	s0 =	simm.s32 @!p1 $0x0  }
0x14: {  	s2 =	sld [smem:$0x3F98];
	s0 =	simm.s32 @p1 $0x1  }
0x15: {  	[smem:$0x3FB5] =	sst s0;
	s0 =	simm.s32 @!p2 $0x0  }
0x16: {  	s3 =	sld [smem:$0x3FDB];
	s0 =	simm.s32 @p2 $0x1  }
0x17: {  	s4 =	simm.s32 $0x1BF5;
	[smem:$0x3FB7] =	sst s0  }
0x18: {  	s0 =	sld [smem:$0x3F9A];
	_ =	swait.ge [sflag:s4], $0x0  }
0x19: {  	s7 =	sld [smem:$0x3F9B]  }
0x1a: {  	s8 =	sadd.s32 $0xFFFFE003, lr  }
0x1b: {  	s9 =	sadd.s32 $0xFFFFFEF7, lr;
	s5 =	simm.s32 $0xFFFFFFFF;
	p2 =	slt.u32 s8, $0xFFFFF086  }
0x1c: {  	p1 =	slt.u32 s9, $0xF7A;
	s5 =	simm.s32 @!p2 $0x0  }
0x1d: {  	s5 =	simm.s32 @p1 $0x1;
	p0 =	seq.s32 s7, s2  }
0x1e: {  	s7 =	smul.u32 @!p0 $0xF7A, s2;
	p2 =	seq.s32 @!p0 s5, $0x0  }
0x1f: {  	s9 =	smul.u32 $0xF7A, s1;
	s8 =	simm.s32 @!p0 $0x1BF5;
	p2 =	por !p2, p0  }
0x20: {  	[sflag:s8] =	ssyncset.s32 @!p0 $0xFFFFF086;
	s6 =	sadd.s32 @!p0 s3, s7;
	s7 =	simm.s32 @!p0 $0x108  }
0x21: {  	s3 =	sadd.s32 s3, s9;
	s6 =	sadd.s32 @!p0 $0x88, s6;
	s7 =	simm.s32 @p2 $0x1082  }
0x22: {  	[simem:s7], [sflag:s8] =	dma.local @!p0 [hbm:s6], $0xF7A  }
0x23: {  	s9 =	sor.u32 $0xD0000000, s2;
	s6 =	simm.s32 $0x108;
	_ =	swait.ge @!p0 [sflag:s8], $0x0  }
0x24: {  	s3 =	sadd.s32 $0x88, s3;
	s6 =	simm.s32 @!p1 $0x1082;
	[sflag:s4] =	ssyncset.s32 $0xFFFFF086  }
0x25: {  	[simem:s6], [sflag:s4] =	dma.local [hbm:s3], $0xF7A  }
0x26: {  	[smem:$0x3F9B] =	sst s1;
	(tag) =	ssettag s2;
	_ =	strace s9  }
0x27: {  	s1 =	sld [smem:$0x3FAB]  }
0x28: {  	s2 =	sld [smem:$0x3FAC]  }
0x29: {  	s4 =	sld [smem:$0x3FAE]  }
0x2a: {  	p0 =	seq.s32 s5, $0x0;
	s5 =	sld [smem:$0x3FAF]  }
0x2b: {  	s6 =	sld [smem:$0x3FB0]  }
0x2c: {  	s7 =	sld [smem:$0x3FB1]  }
0x2d: {  	s3 =	simm.s32 $0x108;
	s8 =	sld [smem:$0x3FB2]  }
0x2e: {  	s3 =	simm.s32 @!p0 $0x1082;
	s9 =	sld [smem:$0x3FB3]  }
0x2f: {  	lr =	sadd.s32 s0, s3;
	s0 =	sld [smem:$0x3FAA]  }
0x30: {  	s3 =	sld [smem:$0x3FAD]  }
0x31: {  	[smem:$0x3FB6] =	sst s10  }
0x32: {  	s10 =	sld [smem:$0x3FB4];
	_ =	sdelay $0x3  }
0x33: {  	p0 =	seq.s32 s10, $0x1;
	s10 =	sld [smem:$0x3FB6];
	_ =	sdelay $0x3  }
0x34: {  	[smem:$0x3FB6] =	sst s10  }
0x35: {  	s10 =	sld [smem:$0x3FB5];
	_ =	sdelay $0x3  }
0x36: {  	p1 =	seq.s32 s10, $0x1;
	s10 =	sld [smem:$0x3FB6];
	_ =	sdelay $0x3  }
0x37: {  	[smem:$0x3FB6] =	sst s10  }
0x38: {  	s10 =	sld [smem:$0x3FB7]  }
0x39: {  	_ = 	snop;
	(pc) =	sbr.ind lr, $3  }
0x3a: {  	_ = 	snop  }
0x3b: {  	_ = 	snop  }
0x3c: {  	p2 =	seq.s32 s10, $0x1;
	s10 =	sld [smem:$0x3FB6]  }
0x3d: {  	_ =	shalt  }
0x3e: {  	_ =	shalt  }
0x3f: {  	_ =	shalt  }
0x40: {  	_ =	shalt  }
0x41: {  	_ =	shalt  }
0x42: {  	_ =	shalt  }
0x43: {  	_ =	shalt  }
0x44: {  	_ =	shalt  }
0x45: {  	_ =	shalt  }
0x46: {  	_ =	shalt  }
0x47: {  	_ =	shalt  }
0x48: {  	_ =	shalt  }
0x49: {  	_ =	shalt  }
0x4a: {  	_ =	shalt  }
0x4b: {  	_ =	shalt  }
0x4c: {  	_ =	shalt  }
0x4d: {  	_ =	shalt  }
0x4e: {  	_ =	shalt  }
0x4f: {  	_ =	shalt  }
0x50: {  	_ =	shalt  }
0x51: {  	_ =	shalt  }
0x52: {  	_ =	shalt  }
0x53: {  	_ =	shalt  }
0x54: {  	_ =	shalt  }
0x55: {  	_ =	shalt  }
0x56: {  	_ =	shalt  }
0x57: {  	_ =	shalt  }
0x58: {  	_ =	shalt  }
0x59: {  	_ =	shalt  }
0x5a: {  	_ =	shalt  }
0x5b: {  	_ =	shalt  }
0x5c: {  	_ =	shalt  }
0x5d: {  	_ =	shalt  }
0x5e: {  	_ =	shalt  }
0x5f: {  	_ =	shalt  }
0x60: {  	_ =	shalt  }
0x61: {  	_ =	shalt  }
0x62: {  	_ =	shalt  }
0x63: {  	_ =	shalt  }
0x64: {  	_ =	shalt  }
0x65: {  	_ =	shalt  }
0x66: {  	_ =	shalt  }
0x67: {  	_ =	shalt  }
0x68: {  	_ =	shalt  }
0x69: {  	_ =	shalt  }
0x6a: {  	_ =	shalt  }
0x6b: {  	_ =	shalt  }
0x6c: {  	_ =	shalt  }
0x6d: {  	_ =	shalt  }
0x6e: {  	_ =	shalt  }
0x6f: {  	_ =	shalt  }
0x70: {  	_ =	shalt  }
0x71: {  	_ =	shalt  }
0x72: {  	_ =	shalt  }
0x73: {  	_ =	shalt  }
0x74: {  	_ =	shalt  }
0x75: {  	_ =	shalt  }
0x76: {  	_ =	shalt  }
0x77: {  	_ =	shalt  }
0x78: {  	_ =	shalt  }
0x79: {  	_ =	shalt  }
0x7a: {  	_ =	shalt  }
0x7b: {  	_ =	shalt  }
0x7c: {  	_ =	shalt  }
0x7d: {  	_ =	shalt  }
0x7e: {  	_ =	shalt  }
0x7f: {  	_ =	shalt  }
0x80: {  	_ =	shalt  }
0x81: {  	_ =	shalt  }
0x82: {  	_ =	shalt  }
0x83: {  	_ =	shalt  }
0x84: {  	_ =	shalt  }
0x85: {  	_ =	shalt  }
0x86: {  	_ =	shalt  }
0x87: {  	_ =	shalt  }
.Lfunc_end0:
.L_simem_size_0:
called_computation_lowered:
.L_overlay_start_0:
0x88: {  	s2 =	sld [smem:$0x3FD9]  }
0x89: {  	s3 =	sld [smem:$0x3FFE];
	_ =	sdelay $0x1  }
0x8a: {  	s1 =	srdreg.scid  }
0x8b: {  	s0 =	sand.u32 $0x1, s1  }
0x8c: {  	s17 =	sshll.u32 s0, $0xA;
	s2 =	sadd.s32 s3, s2  }
0x8d: {  	s2 =	sadd.s32 s2, s17  }
0x8e: {  	[smem:$0x3FC2] =	sst s2  }
0x8f: {  	_ = 	snop  }
0x90: {  	s2 =	sld [smem:$0x3FC8];
	(tm) =	ssettm $0x1  }
0x91: {  	s18 =	sld [smem:$0x3FFB];
	_ =	sdelay $0x3  }
0x92: {  	_ =	strace s18  }
0x93: {  	s3 =	sld [smem:$0x3FFC];
	_ =	sdelay $0x3  }
0x94: {  	_ =	strace s3  }
0x95: {  	s3 =	sld [smem:$0x3FFD];
	_ =	sdelay $0x3  }
0x96: {  	_ =	strace s3  }
0x97: {  	_ =	strace $0x8FFFFFFF  }
0x98: {  	s19 =	sld [smem:$0x3FDB];
	_ =	sdelay $0x1  }
0x99: {  	s4 =	simm.s32 $_scs_section_size  }
0x9a: {  	s5 =	simm.s32 $_size__tile_overlayer_lowered;
	s6 =	simm.s32 $_tile_overlayer_lowered  }
0x9b: {  	s22 =	simm.s32 $0x1BFF;
	s21 =	sshll.u32 s6, $0x1;
	s3 =	sadd.s32 s4, s19  }
0x9c: {  	s7 =	simm.s32 $0x0;
	s20 =	sshll.u32 s5, $0x1;
	s5 =	sadd.s32 s21, s3  }
0x9d: {  	[timem:s7], [sflag:s22] =	dma.local [hbm:s5], s20  }
0x9e: {  	_ =	swait.ge [sflag:s22], s20  }
0x9f: {  	s4 =	ssub.s32 $0x0, s20;
	[sflag:s22] =	ssyncset.done $0x0  }
0xa0: {  	[sflag:s22] =	ssyncadd.s32 s4;
	_ =	sdelay $0x1  }
0xa1: {  	s23 =	simm.s32 $0x1B8B  }
0xa2: {  	_ =	swait.ge [sflag:s23], $0x1  }
0xa3: {  	[sflag:s23] =	ssyncset.done $0x0  }
0xa4: {  	s25 =	simm.s32 $0x1B8E;
	s24 =	sld [smem:$0x3FFE];
	[sflag:s23] =	ssyncadd.s32 $0xFFFFFFFF  }
0xa5: {  	s26 =	simm.s32 $execute0_lowered;
	[smem:$0x3FD2] =	sst s25  }
0xa6: {  	s5 =	sshll.u32 s26, $0x1;
	_ =	strace $0x80000046;
	[dreg:$0x1] =	wrdreg $0xFFFFFFFF  }
0xa7: {  	s28 =	simm.s32 $_size_execute0_lowered;
	s3 =	sadd.s32 s3, s5;
	[dreg:$0x0] =	wrdreg $0x0  }
0xa8: {  	s5 =	sshll.u32 s28, $0x1;
	[dreg:$0x2] =	wrdreg s3  }
0xa9: {  	[dreg:$0x3] =	wrdreg s5  }
0xaa: {  	[dreg:$0x4] =	wrdreg $0xC0  }
0xab: {  	_ =	task [dreg:s7], $0x5FFFF  }
0xac: {  	[dreg:$0x1] =	wrdreg $0xFFFFFFFF  }
0xad: {  	[dreg:$0x0] =	wrdreg $0x60  }
0xae: {  	[dreg:$0x2] =	wrdreg s24  }
0xaf: {  	[dreg:$0x3] =	wrdreg s2  }
0xb0: {  	[dreg:$0x4] =	wrdreg $0x9  }
0xb1: {  	_ =	task.clear_ibuf [dreg:s7], $0x5FFFF;
	_ =	strace $0x90000046  }
0xb2: {  	s29 =	simm.s32 $0x9;
	_ =	strace $0x80000048  }
0xb3: {  	_ =	swait.ge [sflag:s29], $0x1  }
0xb4: {  	[sflag:s29] =	ssyncadd.s32 $0xFFFFFFFF  }
0xb5: {  	_ =	strace $0x90000048  }
0xb6: {  	_ =	sfence  }
0xb7: {  	s30 =	sld [smem:$0x0];
	_ =	sdelay $0x2  }
0xb8: {  	s31 =	sshll.u32 s1, $0xD;
	s1 =	sshrl.u32 s1, $0x2  }
0xb9: {  	s3 =	sand.u32 $0x4000, s31;
	s1 =	sadd.s32 s1, s30  }
0xba: {  	s0 =	sor.u32 s3, s0;
	s1 =	sshll.u32 s1, $0x11  }
0xbb: {  	s0 =	sor.u32 s1, s0  }
0xbc: {  	s0 =	sadd.s32 $0x8F2B, s0  }
0xbd: {  	[sflag:s0] =	ssyncadd.remote.s32 $0x1  }
0xbe: {  	_ =	sfence.sel $0xFFFF  }
0xbf: {  	[dreg:$0x0] =	wrdreg $0xFFFFFFFF;
	(pc) =	sbr.abs _section_cstart, $3  }
0xc0: {  	[dreg:$0x1] =	wrdreg $0xFFFFFFFF  }
0xc1: {  	_ =	task.clear_ibuf [dreg:s7], $0x2FFFF;
	_ =	strace $0x9FFFFFFF  }
0xc2: {  	(tm) =	ssettm $0x7FFFFFFF  }
0xc3: {  	_ =	shalt  }
tec
execute0_lowered:
.L_overlay_start_1:
0x0: {  	(tag) =	ssettag $0x1  }
0x1: {  	s3 =	rddreg [dreg:$0x0];
	s1 =	srdreg.scid  }
0x2: {  	s0 =	stileid.u32;
	s4 =	rddreg [dreg:$0x1]  }
0x3: {  	s12 =	simm.s32 $0x1880;
	s13 =	simm.s32 $0x2500;
	s14 =	simm.s32 $0x4600  }
0x4: {  	s15 =	simm.s32 $0x6700;
	s16 =	simm.s32 $0x80;
	s17 =	simm.s32 $0x400  }
0x5: {  	s18 =	simm.s32 $0x8800;
	s19 =	simm.s32 $0x8A80;
	s20 =	simm.s32 $0x8D00  }
0x6: {  	s21 =	simm.s32 $0x0;
	s5 =	sand.u32 $0x1, s1;
	s2 =	sshll.u32 s0, $0x1  }
0x7: {  	s1 =	rddreg [dreg:$0x2];
	s7 =	sshrl.u32 s0, $0x2;
	s11 =	sor.u32 s5, s2  }
0x8: {  	s2 =	simm.s32 $0x0;
	s7 =	smul.u32 $0x1400, s7;
	s5 =	ssub.s32 $0x2, s5  }
0x9: {  	s6 =	smul.u32 $0x1880, s11;
	[smem:$0x7FF] =	sst s2;
	s8 =	sshll.u32 s11, $0x7  }
0xa: {  	s29 =	smul.u32 $0xC40, s11;
	s30 =	sshrl.u32 s5, $0x1;
	p0 =	seq.s32 s11, $0x1F  }
0xb: {  	s11 =	simm.s32 $0x1;
	_ =	strace $0x80000047;
	s8 =	sand.u32 $0x380, s8  }
0xc: {  	s10 =	ssub.s32 s5, s30;
	s6 =	sshrl.u32 s6, $0x3;
	s7 =	sor.u32 s7, s8  }
0xd: {  	v3 =	vlaneseq.u32;
	s31 =	sshrl.u32 s29, $0x3;
	s10 =	smax.u32 s10, $0x1;
	s7 =	sshrl.u32 s7, $0x3  }
0xe: {  	v0 =	vmul.u32 $0x2, v3;
	s6 =	sadd.s32 s6, s3;
	s4 =	sadd.s32 s4, s31;
	s9 =	sadd.s32 s7, s3  }
0xf: {  	v1 =	vimm.f32 $0.0e+00;
	s3 =	sadd.s32 $0x188000, s6;
	s5 =	sadd.s32 $0x1882B8, s6;
	s6 =	sadd.s32 $0x15C, s4  }
0x10: {  	v4 =	vimm.f32 $1.000000000e+00;
	v3 =	vmul.u32 $0x210, v3;
	v2 =	vor.u32 $0x1, v0;
	s7 =	sadd.s32 $0x1600, s9;
	s8 =	sadd.s32 $0x2000, s9;
	s9 =	sadd.s32 $0x2A00, s9  }
.LBB2_1:
0x11: {  	[tilespmem:s2], [sflag:$0x1] =	stream.linear.gather [hbm4b:s3+s2], $0x15C0, $0x38;
	[tilespmem:$0x8F80] =	vst v63  }
0x12: {  	_ =	swait.ge [sflag:s11], $0x15C0  }
0x13: {  	[sflag:s11] =	ssyncset.done $0x0  }
0x14: {  	[sflag:s11] =	ssyncadd.s32 $0xFFFFEA40  }
0x15: {  	[tilespmem:s12], [sflag:$0x1] =	stream.linear.gather [hbm4b:s4+s2], $0xAE0, $0x38;
	[tilespmem:$0x8F80] =	vst v63  }
0x16: {  	_ =	swait.ge [sflag:s11], $0xAE0  }
0x17: {  	[sflag:s11] =	ssyncset.done $0x0  }
0x18: {  	s22 =	simm.s32 @!p0 $0x0;
	s23 =	simm.s32 @!p0 $0x15C0;
	[sflag:s11] =	ssyncadd.s32 $0xFFFFF520  }
0x19: {  	[tilespmem:s23], [sflag:$0x1] =	stream.linear.gather @!p0 [hbm4b:s5+s22], $0x2C0, $0x38;
	[tilespmem:$0x8F80] =	vst v63  }
0x1a: {  	s23 =	simm.s32 @!p0 $0x1  }
0x1b: {  	_ =	swait.ge @!p0 [sflag:s23], $0x2C0  }
0x1c: {  	[sflag:s23] =	ssyncset.done @!p0 $0x0  }
0x1d: {  	s24 =	simm.s32 @!p0 $0x2360;
	[sflag:s23] =	ssyncadd.s32 @!p0 $0xFFFFFD40  }
0x1e: {  	[tilespmem:s24], [sflag:$0x1] =	stream.linear.gather @!p0 [hbm4b:s6+s22], $0x160, $0x38;
	[tilespmem:$0x8F80] =	vst v63  }
0x1f: {  	_ =	swait.ge @!p0 [sflag:s23], $0x160  }
0x20: {  	[sflag:s23] =	ssyncset.done @!p0 $0x0  }
0x21: {  	[sflag:s23] =	ssyncadd.s32 @!p0 $0xFFFFFEA0;
	s23 =	simm.s32 $0x0  }
0x22: {  	[tilespmem:s23+$0x3160] =	vst v1  }
0x23: {  	[tilespmem:s23+$0x2500] =	vst v1  }
0x24: {  	[tilespmem:s23+$0x4600] =	vst v1  }
0x25: {  	[tilespmem:s23+$0x6700] =	vst v1  }
0x26: {  	[tilespmem:s23+$0x2710] =	vst v1  }
0x27: {  	[tilespmem:s23+$0x4810] =	vst v1  }
0x28: {  	[tilespmem:s23+$0x6910] =	vst v1  }
0x29: {  	[tilespmem:s23+$0x2920] =	vst v1  }
0x2a: {  	[tilespmem:s23+$0x4A20] =	vst v1  }
0x2b: {  	[tilespmem:s23+$0x6B20] =	vst v1  }
0x2c: {  	[tilespmem:s23+$0x2B30] =	vst v1  }
0x2d: {  	[tilespmem:s23+$0x4C30] =	vst v1  }
0x2e: {  	[tilespmem:s23+$0x6D30] =	vst v1  }
0x2f: {  	[tilespmem:s23+$0x2D40] =	vst v1  }
0x30: {  	[tilespmem:s23+$0x4E40] =	vst v1  }
0x31: {  	[tilespmem:s23+$0x6F40] =	vst v1  }
0x32: {  	[tilespmem:s23+$0x2F50] =	vst v1  }
0x33: {  	[tilespmem:s23+$0x5050] =	vst v1  }
0x34: {  	[tilespmem:s23+$0x7150] =	vst v1  }
0x35: {  	[tilespmem:s23+$0x5260] =	vst v1  }
0x36: {  	[tilespmem:s23+$0x7360] =	vst v1  }
0x37: {  	[tilespmem:s23+$0x3370] =	vst v1  }
0x38: {  	[tilespmem:s23+$0x5470] =	vst v1  }
0x39: {  	s31 =	sand.u32 $0x3F0, s2;
	[tilespmem:s23+$0x7570] =	vst v1  }
0x3a: {  	[tilespmem:s31+$0x3580] =	vst v1  }
0x3b: {  	s24 =	simm.s32 @!p0 $0xC4;
	[tilespmem:s31+$0x5680] =	vst v1  }
0x3c: {  	s25 =	simm.s32 $0x0;
	s22 =	simm.s32 $0x40;
	s24 =	simm.s32 @p0 $0xAE;
	[tilespmem:s31+$0x7780] =	vst v1  }
.LBB2_2:
0x3d: {  	s26 =	sshra.s32 s22, $0x2;
	p1 =	sne.s32 s22, $0x800;
	[tilespmem:s23+$0x85F0] =	vst v1  }
0x3e: {  	[tilespmem:s26+$0x3160] =	vst v1  }
0x3f: {  	[tilespmem:s23+$0x64F0] =	vst v1  }
0x40: {  	[tilespmem:s23+$0x43F0] =	vst v1  }
0x41: {  	[tilespmem:s23+$0x83E0] =	vst v1  }
0x42: {  	[tilespmem:s23+$0x62E0] =	vst v1  }
0x43: {  	[tilespmem:s23+$0x41E0] =	vst v1  }
0x44: {  	[tilespmem:s23+$0x81D0] =	vst v1  }
0x45: {  	[tilespmem:s23+$0x60D0] =	vst v1  }
0x46: {  	[tilespmem:s23+$0x3FD0] =	vst v1  }
0x47: {  	[tilespmem:s23+$0x7FC0] =	vst v1  }
0x48: {  	[tilespmem:s23+$0x5EC0] =	vst v1  }
0x49: {  	[tilespmem:s23+$0x3DC0] =	vst v1  }
0x4a: {  	[tilespmem:s23+$0x7DB0] =	vst v1  }
0x4b: {  	[tilespmem:s23+$0x5CB0] =	vst v1  }
0x4c: {  	[tilespmem:s23+$0x3BB0] =	vst v1  }
0x4d: {  	[tilespmem:s23+$0x7BA0] =	vst v1  }
0x4e: {  	[tilespmem:s23+$0x5AA0] =	vst v1  }
0x4f: {  	[tilespmem:s23+$0x39A0] =	vst v1  }
0x50: {  	[tilespmem:s23+$0x7990] =	vst v1  }
0x51: {  	[tilespmem:s23+$0x5890] =	vst v1  }
0x52: {  	[tilespmem:s23+$0x3790] =	vst v1;
	s23 =	smov.u32 s26  }
0x53: {  	[tilespmem:s23+$0x2500] =	vst v1  }
0x54: {  	[tilespmem:s23+$0x4600] =	vst v1  }
0x55: {  	[tilespmem:s23+$0x6700] =	vst v1  }
0x56: {  	[tilespmem:s23+$0x2710] =	vst v1  }
0x57: {  	[tilespmem:s23+$0x4810] =	vst v1  }
0x58: {  	[tilespmem:s23+$0x6910] =	vst v1  }
0x59: {  	[tilespmem:s23+$0x2920] =	vst v1  }
0x5a: {  	[tilespmem:s23+$0x4A20] =	vst v1  }
0x5b: {  	[tilespmem:s23+$0x6B20] =	vst v1  }
0x5c: {  	[tilespmem:s23+$0x2B30] =	vst v1  }
0x5d: {  	[tilespmem:s23+$0x4C30] =	vst v1  }
0x5e: {  	[tilespmem:s23+$0x6D30] =	vst v1  }
0x5f: {  	[tilespmem:s23+$0x2D40] =	vst v1  }
0x60: {  	[tilespmem:s23+$0x4E40] =	vst v1  }
0x61: {  	[tilespmem:s23+$0x6F40] =	vst v1  }
0x62: {  	[tilespmem:s23+$0x2F50] =	vst v1  }
0x63: {  	[tilespmem:s23+$0x5050] =	vst v1  }
0x64: {  	[tilespmem:s23+$0x7150] =	vst v1  }
0x65: {  	[tilespmem:s23+$0x5260] =	vst v1  }
0x66: {  	[tilespmem:s23+$0x7360] =	vst v1  }
0x67: {  	[tilespmem:s23+$0x3370] =	vst v1  }
.Ltmp0:
0x68: {  	s25 =	sadd.s32 $0x10, s25;
	[tilespmem:s23+$0x5470] =	vst v1;
	(pc) =	sbr.rel @p1 .LBB2_2-.Ltmp0, $4  }
0x69: {  	s26 =	sand.u32 $0x3F0, s25;
	[tilespmem:s23+$0x7570] =	vst v1  }
0x6a: {  	[tilespmem:s26+$0x3580] =	vst v1  }
0x6b: {  	[tilespmem:s26+$0x5680] =	vst v1  }
0x6c: {  	s22 =	sadd.s32 $0x40, s22;
	[tilespmem:s26+$0x7780] =	vst v1  }
0x6d: {  	[tilespmem:s23+$0x85F0] =	vst v1  }
0x6e: {  	[tilespmem:s23+$0x64F0] =	vst v1  }
0x6f: {  	[tilespmem:s23+$0x43F0] =	vst v1  }
0x70: {  	[tilespmem:s23+$0x83E0] =	vst v1  }
0x71: {  	[tilespmem:s23+$0x62E0] =	vst v1  }
0x72: {  	[tilespmem:s23+$0x41E0] =	vst v1  }
0x73: {  	[tilespmem:s23+$0x81D0] =	vst v1  }
0x74: {  	[tilespmem:s23+$0x60D0] =	vst v1  }
0x75: {  	[tilespmem:s23+$0x3FD0] =	vst v1  }
0x76: {  	[tilespmem:s23+$0x7FC0] =	vst v1  }
0x77: {  	[tilespmem:s23+$0x5EC0] =	vst v1  }
0x78: {  	[tilespmem:s23+$0x3DC0] =	vst v1  }
0x79: {  	[tilespmem:s23+$0x7DB0] =	vst v1  }
0x7a: {  	[tilespmem:s23+$0x5CB0] =	vst v1  }
0x7b: {  	[tilespmem:s23+$0x3BB0] =	vst v1  }
0x7c: {  	[tilespmem:s23+$0x7BA0] =	vst v1  }
0x7d: {  	[tilespmem:s23+$0x5AA0] =	vst v1  }
0x7e: {  	[tilespmem:s23+$0x39A0] =	vst v1  }
0x7f: {  	[tilespmem:s23+$0x7990] =	vst v1  }
0x80: {  	[tilespmem:s23+$0x5890] =	vst v1;
	s22 =	simm.s32 $0x0  }
0x81: {  	[tilespmem:s23+$0x3790] =	vst v1;
	s23 =	simm.s32 $0x1880;
	s24 =	sshll.u32 s24, $0x5;
	v5 =	vor.u32 s22, v0  }
0x82: {  	v6 =	vor.u32 s22, v2;
	v7 =	vld [tilespmem:s23+$0x0];
	p1 =	sne.s32 s24, $0x20  }
.Ltmp1:
0x83: {  	_ = 	snop;
	(pc) =	sbr.rel @!p1 .LBB2_5-.Ltmp1, $3  }
0x84: {  	_ =	sdelay $0x1  }
0x85: {  	v5 =	vld.idx.msk [tilespmem:v5+s22+$0x0], $0xffff  }
0x86: {  	s25 =	simm.s32 $0x20;
	v6 =	vld.idx.msk [tilespmem:v6+s22+$0x0], $0xffff;
	v7 =	vadd.s32 v3, v7  }
.LBB2_4:
0x87: {  	_ =	sdelay $0x2  }
0x88: {  	v8 =	vor.u32 s25, v0  }
0x89: {  	v9 =	vor.u32 s25, v2;
	[tilespmem:v7+s13+$0x0] =	vst.idx.add.f32.msk $0xffff, v5  }
0x8a: {  	[tilespmem:v7+s14+$0x0] =	vst.idx.add.f32.msk $0xffff, v6  }
0x8b: {  	s23 =	sadd.s32 $0x10, s23;
	s25 =	sadd.s32 $0x20, s25;
	[tilespmem:v7+s15+$0x0] =	vst.idx.add.f32.msk $0xffff, v4  }
0x8c: {  	p1 =	sne.s32 s24, s25;
	v7 =	vld [tilespmem:s23+$0x0]  }
.Ltmp2:
0x8d: {  	v5 =	vld.idx.msk [tilespmem:v8+s22+$0x0], $0xffff;
	(pc) =	sbr.rel @p1 .LBB2_4-.Ltmp2, $2  }
0x8e: {  	v6 =	vld.idx.msk [tilespmem:v9+s22+$0x0], $0xffff;
	_ =	sdelay $0x2  }
0x8f: {  	v7 =	vadd.s32 v3, v7  }
.LBB2_5:
0x90: {  	_ =	sdelay $0x3  }
0x91: {  	[tilespmem:v7+s13+$0x0] =	vst.idx.add.f32.msk $0xffff, v5  }
0x92: {  	[tilespmem:v7+s14+$0x0] =	vst.idx.add.f32.msk $0xffff, v6  }
0x93: {  	s23 =	simm.s32 $0x0;
	[tilespmem:v7+s15+$0x0] =	vst.idx.add.f32.msk $0xffff, v4  }
0x94: {  	v6 =	vld [tilespmem:s23+$0x6700]  }
0x95: {  	v7 =	vld [tilespmem:s23+$0x6910]  }
0x96: {  	v8 =	vld [tilespmem:s23+$0x6B20]  }
0x97: {  	v5 =	vld [tilespmem:s23+$0x43F0]  }
0x98: {  	v9 =	vld [tilespmem:s23+$0x6D30]  }
0x99: {  	v10 =	vld [tilespmem:s23+$0x85F0]  }
0x9a: {  	v11 =	vld [tilespmem:s23+$0x6F40];
	v7 =	vadd.f32 v7, v6  }
0x9b: {  	v12 =	vld [tilespmem:s23+$0x83E0]  }
0x9c: {  	v13 =	vld [tilespmem:s23+$0x81D0];
	v7 =	vadd.f32 v8, v7  }
0x9d: {  	v8 =	vld [tilespmem:s23+$0x7150]  }
0x9e: {  	v14 =	vld [tilespmem:s23+$0x7FC0];
	v7 =	vadd.f32 v9, v7  }
0x9f: {  	v9 =	vld [tilespmem:s23+$0x7360]  }
0xa0: {  	v15 =	vld [tilespmem:s23+$0x7DB0];
	v7 =	vadd.f32 v11, v7  }
0xa1: {  	v11 =	vld [tilespmem:s23+$0x7570]  }
0xa2: {  	s24 =	sand.u32 $0x3F0, s22;
	v16 =	vld [tilespmem:s23+$0x7BA0];
	v7 =	vadd.f32 v8, v7  }
0xa3: {  	v8 =	vld [tilespmem:s24+$0x7780]  }
0xa4: {  	v17 =	vld [tilespmem:s23+$0x4600];
	v7 =	vadd.f32 v9, v7  }
0xa5: {  	v9 =	vld [tilespmem:s23+$0x7990]  }
0xa6: {  	v18 =	vld [tilespmem:s23+$0x4810];
	v7 =	vadd.f32 v11, v7  }
0xa7: {  	v11 =	vld [tilespmem:s23+$0x2500]  }
0xa8: {  	v7 =	vadd.f32 v8, v7;
	v8 =	vld [tilespmem:s23+$0x2710]  }
0xa9: {  	v19 =	vld [tilespmem:s23+$0x4A20]  }
0xaa: {  	v7 =	vadd.f32 v9, v7;
	v9 =	vld [tilespmem:s23+$0x2920]  }
0xab: {  	v60 =	vld [tilespmem:s23+$0x2B30]  }
0xac: {  	v20 =	vld [tilespmem:s23+$0x4C30];
	v7 =	vadd.f32 v16, v7  }
0xad: {  	v61 =	vld [tilespmem:s23+$0x4E40];
	v8 =	vadd.f32 v8, v11  }
0xae: {  	v11 =	vld [tilespmem:s23+$0x2D40];
	v7 =	vadd.f32 v15, v7;
	v15 =	vadd.f32 v18, v17  }
0xaf: {  	v62 =	vld [tilespmem:s23+$0x5260];
	v8 =	vadd.f32 v9, v8  }
0xb0: {  	v9 =	vld [tilespmem:s23+$0x2F50];
	v7 =	vadd.f32 v14, v7;
	v14 =	vadd.f32 v19, v15  }
0xb1: {  	v15 =	vld [tilespmem:s23+$0x5050];
	v8 =	vadd.f32 v60, v8  }
0xb2: {  	v7 =	vadd.f32 v13, v7;
	v13 =	vld [tilespmem:s23+$0x3160];
	v14 =	vadd.f32 v20, v14  }
0xb3: {  	v63 =	vld [tilespmem:s23+$0x3DC0];
	v8 =	vadd.f32 v11, v8  }
0xb4: {  	v11 =	vld [tilespmem:s23+$0x3370];
	v7 =	vadd.f32 v12, v7;
	v12 =	vadd.f32 v61, v14  }
0xb5: {  	v14 =	vld [tilespmem:s23+$0x5470];
	v8 =	vadd.f32 v9, v8  }
0xb6: {  	v9 =	vld [tilespmem:s24+$0x3580];
	v7 =	vadd.f32 v10, v7;
	v12 =	vadd.f32 v15, v12  }
0xb7: {  	v10 =	vld [tilespmem:s24+$0x5680];
	v8 =	vadd.f32 v13, v8  }
0xb8: {  	[tilespmem:s23+$0x8D00] =	vst v7;
	v7 =	vld [tilespmem:s23+$0x3790];
	v12 =	vadd.f32 v62, v12  }
0xb9: {  	v8 =	vadd.f32 v11, v8;
	v11 =	vld [tilespmem:s23+$0x5890]  }
0xba: {  	v13 =	vld [tilespmem:s23+$0x39A0];
	v12 =	vadd.f32 v14, v12  }
0xbb: {  	v14 =	vld [tilespmem:s23+$0x5AA0];
	v8 =	vadd.f32 v9, v8  }
0xbc: {  	v15 =	vld [tilespmem:s23+$0x3BB0];
	v9 =	vadd.f32 v10, v12  }
0xbd: {  	v12 =	vld [tilespmem:s23+$0x5CB0];
	v7 =	vadd.f32 v7, v8  }
0xbe: {  	v6 =	vld [tilespmem:s23+$0x41E0];
	v8 =	vadd.f32 v11, v9  }
0xbf: {  	v9 =	vld [tilespmem:s23+$0x5EC0];
	v7 =	vadd.f32 v13, v7  }
0xc0: {  	v11 =	vld [tilespmem:s23+$0x3FD0];
	v13 =	vadd.f32 v14, v8  }
0xc1: {  	v10 =	vld [tilespmem:s23+$0x60D0];
	v14 =	vadd.f32 v15, v7  }
0xc2: {  	s25 =	simm.s32 $0x10;
	v8 =	vld [tilespmem:s23+$0x62E0];
	v12 =	vadd.f32 v12, v13  }
0xc3: {  	s24 =	simm.s32 $0x80;
	v7 =	vld [tilespmem:s25+$0x6700];
	v13 =	vadd.f32 v63, v14  }
.LBB2_6:
0xc4: {  	p1 =	sne.s32 s24, $0x800;
	v14 =	vld [tilespmem:s25+$0x6910];
	v9 =	vadd.f32 v9, v12  }
0xc5: {  	v11 =	vadd.f32 v11, v13;
	v12 =	vld [tilespmem:s23+$0x64F0]  }
0xc6: {  	v13 =	vld [tilespmem:s25+$0x6B20];
	v9 =	vadd.f32 v10, v9  }
0xc7: {  	v10 =	vld [tilespmem:s25+$0x43F0];
	v6 =	vadd.f32 v6, v11  }
0xc8: {  	v11 =	vld [tilespmem:s25+$0x6D30];
	v8 =	vadd.f32 v8, v9  }
0xc9: {  	v7 =	vadd.f32 v14, v7;
	v9 =	vld [tilespmem:s25+$0x85F0];
	v15 =	vadd.f32 v5, v6  }
0xca: {  	v14 =	vld [tilespmem:s25+$0x6F40];
	v8 =	vadd.f32 v12, v8  }
0xcb: {  	v7 =	vadd.f32 v13, v7;
	v6 =	vld [tilespmem:s25+$0x41E0];
	[tilespmem:s23+$0x8800] =	vst v15  }
0xcc: {  	v12 =	vld [tilespmem:s25+$0x7150];
	[tilespmem:s23+$0x8A80] =	vst v8;
	v5 =	vmov v10;
	s23 =	smov.u32 s25  }
0xcd: {  	v7 =	vadd.f32 v11, v7;
	v8 =	vld [tilespmem:s23+$0x83E0]  }
0xce: {  	v10 =	vld [tilespmem:s23+$0x7360]  }
0xcf: {  	v7 =	vadd.f32 v14, v7;
	v11 =	vld [tilespmem:s23+$0x81D0]  }
0xd0: {  	s22 =	sadd.s32 $0x10, s22;
	v13 =	vld [tilespmem:s23+$0x7570]  }
0xd1: {  	s25 =	sand.u32 $0x3F0, s22;
	v7 =	vadd.f32 v12, v7;
	v12 =	vld [tilespmem:s23+$0x7FC0]  }
0xd2: {  	v14 =	vld [tilespmem:s25+$0x7780]  }
0xd3: {  	v7 =	vadd.f32 v10, v7;
	v10 =	vld [tilespmem:s23+$0x7DB0]  }
0xd4: {  	v15 =	vld [tilespmem:s23+$0x7990]  }
0xd5: {  	v7 =	vadd.f32 v13, v7;
	v13 =	vld [tilespmem:s23+$0x7BA0]  }
0xd6: {  	v16 =	vld [tilespmem:s23+$0x2500]  }
0xd7: {  	v17 =	vld [tilespmem:s23+$0x4600];
	v7 =	vadd.f32 v14, v7  }
0xd8: {  	v14 =	vld [tilespmem:s23+$0x2710]  }
0xd9: {  	v18 =	vld [tilespmem:s23+$0x4810];
	v7 =	vadd.f32 v15, v7  }
0xda: {  	v15 =	vld [tilespmem:s23+$0x2920]  }
0xdb: {  	v19 =	vld [tilespmem:s23+$0x4A20];
	v7 =	vadd.f32 v13, v7  }
0xdc: {  	v13 =	vld [tilespmem:s23+$0x2B30]  }
0xdd: {  	v14 =	vadd.f32 v14, v16;
	v16 =	vld [tilespmem:s23+$0x4C30];
	v7 =	vadd.f32 v10, v7  }
0xde: {  	v10 =	vadd.f32 v18, v17;
	v17 =	vld [tilespmem:s23+$0x2D40]  }
0xdf: {  	v14 =	vadd.f32 v15, v14;
	v15 =	vld [tilespmem:s23+$0x4E40];
	v7 =	vadd.f32 v12, v7  }
0xe0: {  	v10 =	vadd.f32 v19, v10;
	v12 =	vld [tilespmem:s23+$0x2F50]  }
0xe1: {  	v13 =	vadd.f32 v13, v14;
	v14 =	vld [tilespmem:s23+$0x5050];
	v7 =	vadd.f32 v11, v7  }
0xe2: {  	v10 =	vadd.f32 v16, v10;
	v11 =	vld [tilespmem:s23+$0x3160]  }
0xe3: {  	v13 =	vadd.f32 v17, v13;
	v16 =	vld [tilespmem:s23+$0x5260];
	v7 =	vadd.f32 v8, v7  }
0xe4: {  	v8 =	vadd.f32 v15, v10;
	v10 =	vld [tilespmem:s23+$0x3370]  }
0xe5: {  	v12 =	vadd.f32 v12, v13;
	v13 =	vld [tilespmem:s23+$0x5470];
	v7 =	vadd.f32 v9, v7  }
0xe6: {  	v8 =	vadd.f32 v14, v8;
	v9 =	vld [tilespmem:s25+$0x3580]  }
0xe7: {  	v11 =	vadd.f32 v11, v12;
	v12 =	vld [tilespmem:s25+$0x5680];
	[tilespmem:s23+$0x8D00] =	vst v7  }
0xe8: {  	v7 =	vadd.f32 v16, v8;
	v8 =	vld [tilespmem:s23+$0x3790]  }
0xe9: {  	v10 =	vadd.f32 v10, v11;
	v11 =	vld [tilespmem:s23+$0x5890]  }
0xea: {  	v7 =	vadd.f32 v13, v7;
	v13 =	vld [tilespmem:s23+$0x39A0]  }
0xeb: {  	v9 =	vadd.f32 v9, v10;
	v10 =	vld [tilespmem:s23+$0x5AA0]  }
0xec: {  	v7 =	vadd.f32 v12, v7;
	v12 =	vld [tilespmem:s23+$0x3BB0]  }
0xed: {  	v8 =	vadd.f32 v8, v9;
	v14 =	vld [tilespmem:s23+$0x5CB0]  }
0xee: {  	v7 =	vadd.f32 v11, v7;
	v15 =	vld [tilespmem:s23+$0x3DC0]  }
.Ltmp3:
0xef: {  	v8 =	vadd.f32 v13, v8;
	v9 =	vld [tilespmem:s23+$0x5EC0];
	(pc) =	sbr.rel @p1 .LBB2_6-.Ltmp3, $4  }
0xf0: {  	v7 =	vadd.f32 v10, v7;
	v11 =	vld [tilespmem:s23+$0x3FD0]  }
0xf1: {  	v13 =	vadd.f32 v12, v8;
	v10 =	vld [tilespmem:s23+$0x60D0]  }
0xf2: {  	s25 =	sshra.s32 s24, $0x2;
	v12 =	vadd.f32 v14, v7;
	v8 =	vld [tilespmem:s23+$0x62E0]  }
0xf3: {  	s24 =	sadd.s32 $0x40, s24;
	v7 =	vld [tilespmem:s25+$0x6700];
	v13 =	vadd.f32 v15, v13  }
0xf4: {  	v14 =	vld [tilespmem:s25+$0x6910];
	v9 =	vadd.f32 v9, v12  }
0xf5: {  	v15 =	vld [tilespmem:s23+$0x64F0];
	v11 =	vadd.f32 v11, v13  }
0xf6: {  	v32 =	vld [tilespmem:s25+$0x6B20];
	v9 =	vadd.f32 v10, v9  }
0xf7: {  	v33 =	vld [tilespmem:s25+$0x43F0];
	v6 =	vadd.f32 v6, v11  }
0xf8: {  	v34 =	vld [tilespmem:s25+$0x6D30];
	v8 =	vadd.f32 v8, v9  }
0xf9: {  	v35 =	vld [tilespmem:s25+$0x85F0];
	v5 =	vadd.f32 v5, v6  }
0xfa: {  	v36 =	vld [tilespmem:s25+$0x41E0];
	v7 =	vadd.f32 v14, v7;
	v8 =	vadd.f32 v15, v8  }
0xfb: {  	v6 =	vld [tilespmem:s25+$0x6F40];
	[tilespmem:s23+$0x8800] =	vst v5  }
0xfc: {  	v7 =	vadd.f32 v32, v7;
	v5 =	vld [tilespmem:s25+$0x7150];
	[tilespmem:s23+$0x8A80] =	vst v8  }
0xfd: {  	v8 =	vld [tilespmem:s25+$0x83E0]  }
0xfe: {  	v7 =	vadd.f32 v34, v7;
	v37 =	vld [tilespmem:s25+$0x7360]  }
0xff: {  	v38 =	vld [tilespmem:s25+$0x81D0]  }
0x100: {  	v39 =	vld [tilespmem:s25+$0x7FC0];
	v6 =	vadd.f32 v6, v7  }
0x101: {  	s22 =	sadd.s32 $0x10, s22;
	v7 =	vld [tilespmem:s25+$0x7570]  }
0x102: {  	s22 =	sand.u32 $0x3F0, s22;
	v40 =	vld [tilespmem:s25+$0x7DB0];
	v5 =	vadd.f32 v5, v6  }
0x103: {  	v6 =	vld [tilespmem:s22+$0x7780]  }
0x104: {  	v41 =	vld [tilespmem:s25+$0x7990];
	v5 =	vadd.f32 v37, v5  }
0x105: {  	v16 =	vld [tilespmem:s25+$0x7BA0]  }
0x106: {  	v17 =	vld [tilespmem:s25+$0x4600];
	v5 =	vadd.f32 v7, v5  }
0x107: {  	v7 =	vld [tilespmem:s25+$0x2500]  }
0x108: {  	v5 =	vadd.f32 v6, v5;
	v6 =	vld [tilespmem:s25+$0x2710]  }
0x109: {  	v18 =	vld [tilespmem:s25+$0x4810]  }
0x10a: {  	v42 =	vld [tilespmem:s25+$0x2920];
	v5 =	vadd.f32 v41, v5  }
0x10b: {  	v19 =	vld [tilespmem:s25+$0x4A20]  }
0x10c: {  	v43 =	vld [tilespmem:s25+$0x2B30];
	v5 =	vadd.f32 v16, v5  }
0x10d: {  	v20 =	vld [tilespmem:s25+$0x4C30];
	v6 =	vadd.f32 v6, v7  }
0x10e: {  	v44 =	vadd.f32 v18, v17;
	v7 =	vld [tilespmem:s25+$0x2D40];
	v5 =	vadd.f32 v40, v5  }
0x10f: {  	v45 =	vld [tilespmem:s25+$0x4E40];
	v6 =	vadd.f32 v42, v6  }
0x110: {  	v46 =	vld [tilespmem:s25+$0x2F50];
	v47 =	vadd.f32 v19, v44;
	v5 =	vadd.f32 v39, v5  }
0x111: {  	v48 =	vld [tilespmem:s25+$0x5050];
	v6 =	vadd.f32 v43, v6  }
0x112: {  	v49 =	vld [tilespmem:s25+$0x3160];
	v14 =	vadd.f32 v20, v47;
	v5 =	vadd.f32 v38, v5  }
0x113: {  	v50 =	vld [tilespmem:s25+$0x5260];
	v6 =	vadd.f32 v7, v6  }
0x114: {  	v51 =	vadd.f32 v45, v14;
	v7 =	vld [tilespmem:s25+$0x3370];
	v5 =	vadd.f32 v8, v5  }
0x115: {  	v52 =	vld [tilespmem:s25+$0x5470];
	v6 =	vadd.f32 v46, v6  }
0x116: {  	v53 =	vld [tilespmem:s22+$0x3580];
	v8 =	vadd.f32 v48, v51;
	v5 =	vadd.f32 v35, v5  }
0x117: {  	v54 =	vld [tilespmem:s22+$0x5680];
	v6 =	vadd.f32 v49, v6  }
0x118: {  	v55 =	vld [tilespmem:s25+$0x3790];
	[tilespmem:s25+$0x8D00] =	vst v5;
	v5 =	vadd.f32 v50, v8  }
0x119: {  	v6 =	vadd.f32 v7, v6;
	v7 =	vld [tilespmem:s25+$0x5890]  }
0x11a: {  	v56 =	vld [tilespmem:s25+$0x39A0];
	v5 =	vadd.f32 v52, v5  }
0x11b: {  	v57 =	vld [tilespmem:s25+$0x5AA0];
	v6 =	vadd.f32 v53, v6  }
0x11c: {  	v58 =	vld [tilespmem:s25+$0x3BB0];
	v5 =	vadd.f32 v54, v5  }
0x11d: {  	v59 =	vld [tilespmem:s25+$0x5CB0];
	v6 =	vadd.f32 v55, v6  }
0x11e: {  	v5 =	vadd.f32 v7, v5;
	v7 =	vld [tilespmem:s25+$0x3DC0]  }
0x11f: {  	v60 =	vld [tilespmem:s25+$0x5EC0];
	v6 =	vadd.f32 v56, v6  }
0x120: {  	v61 =	vld [tilespmem:s25+$0x3FD0];
	v5 =	vadd.f32 v57, v5  }
0x121: {  	v62 =	vld [tilespmem:s25+$0x60D0];
	v6 =	vadd.f32 v58, v6  }
0x122: {  	v5 =	vadd.f32 v59, v5  }
0x123: {  	v63 =	vld [tilespmem:s25+$0x62E0];
	v6 =	vadd.f32 v7, v6  }
0x124: {  	v5 =	vadd.f32 v60, v5  }
0x125: {  	v7 =	vld [tilespmem:s25+$0x64F0];
	v6 =	vadd.f32 v61, v6  }
0x126: {  	v5 =	vadd.f32 v62, v5  }
0x127: {  	v6 =	vadd.f32 v36, v6  }
0x128: {  	v5 =	vadd.f32 v63, v5  }
0x129: {  	v6 =	vadd.f32 v33, v6  }
0x12a: {  	v5 =	vadd.f32 v7, v5  }
0x12b: {  	[tilespmem:s25+$0x8800] =	vst v6  }
0x12c: {  	[tilespmem:s25+$0x8A80] =	vst v5  }
0x12d: {  	[hbm4b:s7+s16] =	stream.strided.scatter [tilespmem:s18], [sflag:$0x1], $0x280, s17, s16, $0x38;
	[tilespmem:$0x8F80] =	vst v63  }
0x12e: {  	_ =	swait.ge [sflag:s11], $0x280  }
0x12f: {  	[sflag:s11] =	ssyncset.done $0x0  }
0x130: {  	[sflag:s11] =	ssyncadd.s32 $0xFFFFFD80  }
0x131: {  	[hbm4b:s8+s16] =	stream.strided.scatter [tilespmem:s19], [sflag:$0x1], $0x280, s17, s16, $0x38;
	[tilespmem:$0x8F80] =	vst v63  }
0x132: {  	s21 =	sadd.s32 $0x1, s21;
	_ =	swait.ge [sflag:s11], $0x280  }
0x133: {  	p1 =	sne.s32 s21, s10;
	[sflag:s11] =	ssyncset.done $0x0  }
.Ltmp4:
0x134: {  	[sflag:s11] =	ssyncadd.s32 $0xFFFFFD80;
	(pc) =	sbr.rel @p1 .LBB2_1-.Ltmp4, $4  }
0x135: {  	[hbm4b:s9+s16] =	stream.strided.scatter [tilespmem:s20], [sflag:$0x1], $0x280, s17, s16, $0x38;
	[tilespmem:$0x8F80] =	vst v63  }
0x136: {  	_ =	swait.ge [sflag:s11], $0x280  }
0x137: {  	[sflag:s11] =	ssyncset.done $0x0  }
0x138: {  	[sflag:s11] =	ssyncadd.s32 $0xFFFFFD80  }
0x139: {  	_ =	sfence.sel $0x180000  }
0x13a: {  	[bflag:$0x0] =	sbarrier.arrive $0xFFFF  }
0x13b: {  	p0 =	sne.s32 s0, $0x0;
	_ =	strace $0x90000047  }
0x13c: {  	s0 =	sadd.s32 @!p0 $0x100000, s1;
	[bflag:$0x2] =	sbarrier.arrive $0xFFFF  }
0x13d: {  	[sflag:s0] =	ssyncadd.tile.s32 @!p0 $0x1;
	_ =	shalt  }
.Lfunc_end2:
_tile_overlayer_lowered:
.L_overlay_start_2:
0x13e: {  	(tag) =	ssettag $0x2  }
0x13f: {  	s0 =	rddreg [dreg:$0x0];
	s2 =	stileid.u32  }
0x140: {  	s1 =	rddreg [dreg:$0x1];
	p0 =	sne.s32 s2, $0x0  }
0x141: {  	s3 =	rddreg [dreg:$0x2];
	[bflag:$0x3] =	sbarrier.arrive $0xFFFF;
	s2 =	simm.s32 @!p0 $0x1C01  }
0x142: {  	[timem:s3], [sflag:s2] =	dma.local @!p0 [hbm:s0], s1  }
0x143: {  	s0 =	simm.s32 @!p0 $0x1  }
0x144: {  	_ =	swait.ge @!p0 [sflag:s0], s1  }
0x145: {  	s1 =	ssub.s32 @!p0 $0x0, s1;
	[sflag:s0] =	ssyncset.done @!p0 $0x0  }
0x146: {  	[sflag:s0] =	ssyncadd.s32 @!p0 s1  }
0x147: {  	[bflag:$0x3] =	sbarrier.arrive $0xFFFF  }
0x148: {  	_ =	shalt  }

</sc_bundles>
